<compile_context>
chip_gen: v7x
topology: tpu7x:2x2x1
jax: 0.10.2.dev20260603
libtpu: 0.0.44.dev20260713+nightly
codegen_flags: <defaults>
</compile_context>

<pallas_src>
import functools

import jax
import jax.numpy as jnp
import numpy as np
from jax.experimental import pallas as pl
from jax.experimental.pallas import tpu as pltpu
from jax.experimental.pallas import tpu_sc as plsc

P = 128
CB = 1024
H = 16
TOKENS = 16384
TB = 1024
GRID = TOKENS // TB

_ang = (2.0 * np.pi / P) * np.outer(np.arange(P), np.arange(P))
_DFT_COS = np.cos(_ang).astype(np.float32)
_DFT_SIN = np.sin(_ang).astype(np.float32)


def _encode_block(x_ref, c_ref, s_ref,
                  w0, b0, w1, b1, w2, b2,
                  r0w1, r0b1, r0w2, r0b2,
                  r1w1, r1b1, r1w2, r1b2,
                  scw, scb, wt_ref,
                  idx_ref, loss_ref):
    i = pl.program_id(0)
    xb = x_ref[...]
    f32 = jnp.float32
    doth = functools.partial(jnp.dot, preferred_element_type=f32,
                             precision=jax.lax.Precision.HIGHEST)
    dot = lambda a, b: jnp.dot(a.astype(jnp.bfloat16), b.astype(jnp.bfloat16),
                               preferred_element_type=f32)

    re = doth(xb, c_ref[...])
    im = doth(xb, s_ref[...])
    xf = jnp.sqrt(re * re + im * im)

    h = jax.nn.relu(dot(xf, w0[...]) + b0[...])
    h = jax.nn.relu(dot(h, w1[...]) + b1[...])
    h = dot(h, w2[...]) + b2[...]
    for rw1, rb1, rw2, rb2 in ((r0w1, r0b1, r0w2, r0b2),
                               (r1w1, r1b1, r1w2, r1b2)):
        m = jax.nn.relu(h)
        m = dot(m, rw1[...]) + rb1[...]
        m = jax.nn.relu(m)
        m = dot(m, rw2[...]) + rb2[...]
        h = h + m
    h = jax.nn.relu(h)
    z = h + (dot(xf, scw[...]) + scb[...])

    n = jnp.sqrt(jnp.sum(z * z, axis=-1, keepdims=True))
    z = z / jnp.maximum(n, 1e-12)

    wt = wt_ref[...]
    s = jnp.sum(z * z, axis=1, keepdims=True)
    w2sum = jnp.sum(wt * wt, axis=0)
    d = s + w2sum[None, :] - 2.0 * dot(z, wt)

    dmin = jnp.min(d, axis=1)
    ids = jax.lax.broadcasted_iota(jnp.int32, d.shape, 1)
    cand = jnp.where(d == dmin[:, None], ids, jnp.int32(2**30))
    idx = jnp.min(cand, axis=1)
    idx_ref[0, 0, :] = idx

    dex = s + w2sum[None, :] - 2.0 * doth(z, wt)
    dsel = jnp.sum(jnp.where(ids == idx[:, None], dex, 0.0), axis=1)
    prev = jnp.where(i == 0, jnp.zeros((1, 1), f32), loss_ref[...])
    loss_ref[...] = prev + jnp.sum(dsel)


def _decode_table(w_ref,
                  r0w1, r0b1, r0w2, r0b2,
                  r1w1, r1b1, r1w2, r1b2,
                  w0, b0, w1, b1, w2, b2,
                  scw, scb, out_ref):
    f32 = jnp.float32
    dot = lambda a, b: jnp.dot(a.astype(jnp.bfloat16), b.astype(jnp.bfloat16),
                               preferred_element_type=f32)
    x = w_ref[...]
    h = x
    for rw1, rb1, rw2, rb2 in ((r0w1, r0b1, r0w2, r0b2),
                               (r1w1, r1b1, r1w2, r1b2)):
        m = jax.nn.relu(h)
        m = dot(m, rw1[...]) + rb1[...]
        m = jax.nn.relu(m)
        m = dot(m, rw2[...]) + rb2[...]
        h = h + m
    h = jax.nn.relu(dot(h, w0[...]) + b0[...])
    h = jax.nn.relu(dot(h, w1[...]) + b1[...])
    h = dot(h, w2[...]) + b2[...]
    out_ref[...] = h + (dot(x, scw[...]) + scb[...])


def _sc_gather(table, idx_flat):
    n = idx_flat.shape[0]
    win = 128
    mesh = plsc.VectorSubcoreMesh(core_axis_name="c", subcore_axis_name="s")
    idx2 = idx_flat.reshape(1, n)

    @pl.kernel(out_type=jax.ShapeDtypeStruct((n, P), jnp.float32), mesh=mesh)
    def gk(tab_hbm, i_hbm, o_hbm):
        def body(i_vmem, o_vmem):
            pltpu.sync_copy(tab_hbm.at[i_vmem.at[0]], o_vmem)

        pltpu.emit_pipeline(
            body,
            grid=(n // win,),
            in_specs=[pl.BlockSpec((1, win), index_map=lambda i: (0, i))],
            out_specs=[pl.BlockSpec((win, P), index_map=lambda i: (i, 0))],
            core_axis_name=("c", "s"),
            dimension_semantics=(pltpu.PARALLEL,),
        )(i_hbm, o_hbm)

    return gk(table, idx2)


def kernel(x, params):
    B, V, L = x.shape
    xp = x.reshape(B * V * (L // P), P)
    p = params
    f32 = jnp.float32

    def row(v):
        return v.reshape(1, -1)

    C = jnp.asarray(_DFT_COS)
    S = jnp.asarray(_DFT_SIN)
    wt = p['codebook'].T

    enc_in = (
        xp, C, S,
        p['e_w0'], row(p['e_b0']), p['e_w1'], row(p['e_b1']),
        p['e_w2'], row(p['e_b2']),
        p['e_r0_w1'], row(p['e_r0_b1']), p['e_r0_w2'], row(p['e_r0_b2']),
        p['e_r1_w1'], row(p['e_r1_b1']), p['e_r1_w2'], row(p['e_r1_b2']),
        p['e_sc_w'], row(p['e_sc_b']), wt,
    )
    full = lambda a: pl.BlockSpec(a.shape, lambda i: (0,) * a.ndim)
    enc_specs = [pl.BlockSpec((TB, P), lambda i: (i, 0))]
    enc_specs += [full(a) for a in enc_in[1:]]

    idx3, loss_sum = pl.pallas_call(
        _encode_block,
        grid=(GRID,),
        in_specs=enc_specs,
        out_specs=[
            pl.BlockSpec((1, 1, TB), lambda i: (i, 0, 0)),
            pl.BlockSpec((1, 1), lambda i: (0, 0)),
        ],
        out_shape=[
            jax.ShapeDtypeStruct((GRID, 1, TB), jnp.int32),
            jax.ShapeDtypeStruct((1, 1), f32),
        ],
    )(*enc_in)
    idx = idx3.reshape(TOKENS)
    loss = (loss_sum[0, 0] / (TOKENS * H)).astype(f32)

    dec_in = (
        p['codebook'],
        p['d_r0_w1'], row(p['d_r0_b1']), p['d_r0_w2'], row(p['d_r0_b2']),
        p['d_r1_w1'], row(p['d_r1_b1']), p['d_r1_w2'], row(p['d_r1_b2']),
        p['d_w0'], row(p['d_b0']), p['d_w1'], row(p['d_b1']),
        p['d_w2'], row(p['d_b2']),
        p['d_sc_w'], row(p['d_sc_b']),
    )
    full0 = lambda a: pl.BlockSpec(a.shape, lambda: (0,) * a.ndim)
    table = pl.pallas_call(
        _decode_table,
        in_specs=[full0(a) for a in dec_in],
        out_specs=pl.BlockSpec((CB, P), lambda: (0, 0)),
        out_shape=jax.ShapeDtypeStruct((CB, P), f32),
    )(*dec_in)

    out = _sc_gather(table, idx).reshape(B * V, L // P, P)
    return out, loss, idx

# --- scband reference (transcript-rebuilt; emitter-appended) ---
"""Pipeline reference for scband-norm-emavector-quantizer-91336774516844 (READ-ONLY COPY).

The authoritative reference and input builder live on the scoring server;
editing this copy changes nothing except your own understanding.
"""

import jax, jax.numpy as jnp
import numpy as np

PATCH_LEN = 128
CODEBOOK_SIZE = 1024
CODE_DIM = PATCH_LEN // 8


def l2norm(t, eps=1e-12):
    n = jnp.linalg.norm(t, axis=-1, keepdims=True)
    return t / jnp.maximum(n, eps)


def _lin(k, fan_in, fan_out):
    return jax.random.normal(k, (fan_in, fan_out), dtype=jnp.float32) * (1.0 / np.sqrt(fan_in))


def setup_inputs(seed: int = 0):
    key = jax.random.key(seed)
    ks = iter([jax.random.fold_in(key, i) for i in range(64)])
    x = jax.random.normal(next(ks), (32, 8, 8192), dtype=jnp.float32)
    L = PATCH_LEN
    H = L // 8
    p = {}
    # Encoder: Linear(L, L/2) ReLU Linear(L/2, L/4) ReLU Linear(L/4, L/8), 2x ResBlock(H, 4H), ReLU; shortcut Linear(L, H)
    p['e_w0'] = _lin(next(ks), L, L // 2); p['e_b0'] = jnp.zeros((L // 2,), jnp.float32)
    p['e_w1'] = _lin(next(ks), L // 2, L // 4); p['e_b1'] = jnp.zeros((L // 4,), jnp.float32)
    p['e_w2'] = _lin(next(ks), L // 4, H); p['e_b2'] = jnp.zeros((H,), jnp.float32)
    for i in range(2):
        p['e_r%d_w1' % i] = _lin(next(ks), H, 4 * H); p['e_r%d_b1' % i] = jnp.zeros((4 * H,), jnp.float32)
        p['e_r%d_w2' % i] = _lin(next(ks), 4 * H, H); p['e_r%d_b2' % i] = jnp.zeros((H,), jnp.float32)
    p['e_sc_w'] = _lin(next(ks), L, H); p['e_sc_b'] = jnp.zeros((H,), jnp.float32)
    # Decoder: 2x ResBlock(H, 4H), Linear(H, L/4) ReLU Linear(L/4, L/2) ReLU Linear(L/2, L); shortcut Linear(H, L)
    for i in range(2):
        p['d_r%d_w1' % i] = _lin(next(ks), H, 4 * H); p['d_r%d_b1' % i] = jnp.zeros((4 * H,), jnp.float32)
        p['d_r%d_w2' % i] = _lin(next(ks), 4 * H, H); p['d_r%d_b2' % i] = jnp.zeros((H,), jnp.float32)
    p['d_w0'] = _lin(next(ks), H, L // 4); p['d_b0'] = jnp.zeros((L // 4,), jnp.float32)
    p['d_w1'] = _lin(next(ks), L // 4, L // 2); p['d_b1'] = jnp.zeros((L // 2,), jnp.float32)
    p['d_w2'] = _lin(next(ks), L // 2, L); p['d_b2'] = jnp.zeros((L,), jnp.float32)
    p['d_sc_w'] = _lin(next(ks), H, L); p['d_sc_b'] = jnp.zeros((L,), jnp.float32)
    # EmbeddingEMA with kmeans_init=False: l2-normalized random codebook
    p['codebook'] = l2norm(jax.random.normal(next(ks), (CODEBOOK_SIZE, CODE_DIM), dtype=jnp.float32))
    return {'x': x, 'params': p}


def _resblock(h, w1, b1, w2, b2):
    m = jax.nn.relu(h)
    m = m @ w1 + b1
    m = jax.nn.relu(m)
    m = m @ w2 + b2
    return h + m


def _encoder(x, p):
    h = jax.nn.relu(x @ p['e_w0'] + p['e_b0'])
    h = jax.nn.relu(h @ p['e_w1'] + p['e_b1'])
    h = h @ p['e_w2'] + p['e_b2']
    for i in range(2):
        h = _resblock(h, p['e_r%d_w1' % i], p['e_r%d_b1' % i], p['e_r%d_w2' % i], p['e_r%d_b2' % i])
    h = jax.nn.relu(h)
    return h + (x @ p['e_sc_w'] + p['e_sc_b'])


def _decoder(x, p):
    h = x
    for i in range(2):
        h = _resblock(h, p['d_r%d_w1' % i], p['d_r%d_b1' % i], p['d_r%d_w2' % i], p['d_r%d_b2' % i])
    h = jax.nn.relu(h @ p['d_w0'] + p['d_b0'])
    h = jax.nn.relu(h @ p['d_w1'] + p['d_b1'])
    h = h @ p['d_w2'] + p['d_b2']
    return h + (x @ p['d_sc_w'] + p['d_sc_b'])


def reference(x, params):
    B, V, L = x.shape
    P = PATCH_LEN
    N = L // P
    # PatchFFT: non-overlapping unfold == reshape, then |FFT|
    xp = x.reshape(B, V, N, P).reshape(B * V, N, P)
    xf = jnp.abs(jnp.fft.fft(xp)).astype(jnp.float32)
    # Encode and l2-normalize latents
    z = _encoder(xf, params)
    z = l2norm(z)
    zf = z.reshape(-1, CODE_DIM)
    w = params['codebook']
    # Euclidean distance to codebook (both l2-normalized)
    d = jnp.sum(zf ** 2, axis=1, keepdims=True) + jnp.sum(w ** 2, axis=1) - 2.0 * (zf @ w.T)
    idx = jnp.argmin(d, axis=1)
    zq = jnp.take(w, idx, axis=0).reshape(z.shape)
    # commitment loss + straight-through estimator
    loss = jnp.mean((jax.lax.stop_gradient(zq) - z) ** 2)
    zq_st = z + jax.lax.stop_gradient(zq - z)
    out = _decoder(zq_st, params)
    return out, loss, idx

if __name__ == "__main__":
    import jax
    _d = setup_inputs()
    print(jax.jit(kernel)(*tuple(_d.values())))

</pallas_src>

<mosaic_0001>
#map = affine_map<(d0, d1) -> (0, 0)>
module attributes {stable_mosaic.version = 14 : i64} {
  func.func @gk(%arg0: i32, %arg1: i32, %arg2: memref<1024x128xf32, #tpu.memory_space<hbm>>, %arg3: memref<1x16384xi32, #tpu.memory_space<hbm>>, %arg4: memref<16384x128xf32, #tpu.memory_space<hbm>>) attributes {dimension_semantics = [#tpu.dimension_semantics<core_parallel>, #tpu.dimension_semantics<subcore_parallel>], iteration_bounds = array<i64: 2, 16>, scalar_prefetch = 0 : i64, scratch_operands = 0 : i64, tpu.core_type = #tpu.core_type<sc_vector_subcore>, window_params = [{transform_indices = #map}, {transform_indices = #map}, {transform_indices = #map}]} {
    %mul3A = arith.constant 1 : i32
    %mul3A_0 = arith.muli %arg1, %mul3A : i32
    %add3A = arith.constant 0 : i32
    %add3A_1 = arith.addi %add3A, %mul3A_0 : i32
    %mul3A_2 = arith.constant 16 : i32
    %mul3A_3 = arith.muli %arg0, %mul3A_2 : i32
    %add3A_4 = arith.addi %add3A_1, %mul3A_3 : i32
    %mul3A_5 = arith.constant 4 : i32
    %mul3A_6 = arith.muli %add3A_4, %mul3A_5 : i32
    "tpu.region"() ({
      %run_scoped3A = memref.alloca() : memref<2x1x128xi32, #tpu.memory_space<vmem>>
      %run_scoped3A_7 = tpu.sem_alloc : memref<2x!tpu.dma_semaphore, #tpu.memory_space<semaphore_mem>>
      %run_scoped3A_8 = memref.alloca() : memref<2x128x128xf32, #tpu.memory_space<vmem>>
      %run_scoped3A_9 = tpu.sem_alloc : memref<2x!tpu.dma_semaphore, #tpu.memory_space<semaphore_mem>>
      %add3A_10 = arith.constant 0 : i32
      %add3A_11 = arith.addi %add3A_10, %mul3A_6 : i32
      %select_n3A = arith.constant true
      %select_n3A_12 = arith.constant 0 : i32
      %select_n3A_13 = arith.constant -1 : i32
      %select_n3A_14 = arith.select %select_n3A, %select_n3A_13, %select_n3A_12 : i32
      %eq3A = arith.constant -1 : i32
      %eq3A_15 = arith.cmpi eq, %select_n3A_14, %eq3A : i32
      %select_n3A_16 = arith.constant 3 : i32
      %select_n3A_17 = arith.select %eq3A_15, %select_n3A_16, %select_n3A_14 : i32
      %add3A_18 = arith.addi %select_n3A_17, %mul3A_6 : i32
      %select_n3A_19 = arith.constant true
      %select_n3A_20 = arith.constant 0 : i32
      %select_n3A_21 = arith.constant 1 : i32
      %select_n3A_22 = arith.select %select_n3A_19, %select_n3A_21, %select_n3A_20 : i32
      %eq3A_23 = arith.constant 4 : i32
      %eq3A_24 = arith.cmpi eq, %select_n3A_22, %eq3A_23 : i32
      %select_n3A_25 = arith.constant 0 : i32
      %select_n3A_26 = arith.select %eq3A_24, %select_n3A_25, %select_n3A_22 : i32
      %add3A_27 = arith.addi %select_n3A_26, %mul3A_6 : i32
      %add3A_28 = arith.constant 1 : i32
      %add3A_29 = arith.addi %select_n3A_26, %add3A_28 : i32
      %select_n3A_30 = arith.constant true
      %select_n3A_31 = arith.select %select_n3A_30, %add3A_29, %select_n3A_26 : i32
      %eq3A_32 = arith.constant 4 : i32
      %eq3A_33 = arith.cmpi eq, %select_n3A_31, %eq3A_32 : i32
      %select_n3A_34 = arith.constant 0 : i32
      %select_n3A_35 = arith.select %eq3A_33, %select_n3A_34, %select_n3A_31 : i32
      %add3A_36 = arith.addi %select_n3A_35, %mul3A_6 : i32
      "tpu.trace_start"() <{level = 10 : i32, message = "ep_initialize_0"}> : () -> ()
      %rem3A = arith.constant 0 : i32
      %rem3A_37 = arith.constant 2 : i32
      %rem3A_38 = arith.remui %rem3A, %rem3A_37 : i32
      %mul3A_39 = arith.constant 128 : i32
      %mul3A_40 = arith.muli %mul3A_39, %add3A_11 : i32
      %dma_start3A = arith.constant 0 : i32
      %dma_start3A_41 = arith.constant 0 : i32
      %dma_start3A_42 = tpu.memref_slice %run_scoped3A[%rem3A_38, %dma_start3A, %dma_start3A_41] : memref<2x1x128xi32, #tpu.memory_space<vmem>> -> memref<1x1x128xi32, #tpu.memory_space<vmem>>
      %dma_start3A_43 = tpu.memref_squeeze %dma_start3A_42 : memref<1x1x128xi32, #tpu.memory_space<vmem>> -> memref<1x128xi32, #tpu.memory_space<vmem>>
      %dma_start3A_44 = arith.constant 0 : i32
      %dma_start3A_45 = tpu.memref_slice %arg3[%dma_start3A_44, %mul3A_40] : memref<1x16384xi32, #tpu.memory_space<hbm>> -> memref<1x128xi32, #tpu.memory_space<hbm>>
      %dma_start3A_46 = tpu.memref_slice %run_scoped3A_7[%rem3A_38] : memref<2x!tpu.dma_semaphore, #tpu.memory_space<semaphore_mem>> -> memref<1x!tpu.dma_semaphore, #tpu.memory_space<semaphore_mem>>
      %dma_start3A_47 = tpu.memref_squeeze %dma_start3A_46 : memref<1x!tpu.dma_semaphore, #tpu.memory_space<semaphore_mem>> -> memref<!tpu.dma_semaphore, #tpu.memory_space<semaphore_mem>>
      %dma_start3A_48 = arith.constant 0 : i32
      %dma_start3A_49 = arith.constant 0 : i32
      %dma_start3A_50 = tpu.memref_slice %run_scoped3A[%rem3A_38, %dma_start3A_48, %dma_start3A_49] : memref<2x1x128xi32, #tpu.memory_space<vmem>> -> memref<1x1x128xi32, #tpu.memory_space<vmem>>
      %dma_start3A_51 = tpu.memref_squeeze %dma_start3A_50 : memref<1x1x128xi32, #tpu.memory_space<vmem>> -> memref<1x128xi32, #tpu.memory_space<vmem>>
      %dma_start3A_52 = arith.constant 0 : i32
      %dma_start3A_53 = tpu.memref_slice %arg3[%dma_start3A_52, %mul3A_40] : memref<1x16384xi32, #tpu.memory_space<hbm>> -> memref<1x128xi32, #tpu.memory_space<hbm>>
      tpu.enqueue_dma source(%dma_start3A_53 : memref<1x128xi32, #tpu.memory_space<hbm>>) target(%dma_start3A_51 : memref<1x128xi32, #tpu.memory_space<vmem>>) target_semaphore(%dma_start3A_47 : memref<!tpu.dma_semaphore, #tpu.memory_space<semaphore_mem>>)
      %add3A_54 = arith.constant 0 : i32
      %add3A_55 = arith.constant 1 : i32
      %add3A_56 = arith.addi %add3A_54, %add3A_55 : i32
      %select_n3A_57 = arith.constant true
      %select_n3A_58 = arith.constant 0 : i32
      %select_n3A_59 = arith.select %select_n3A_57, %add3A_56, %select_n3A_58 : i32
      "tpu.trace_stop"() : () -> ()
      %scan3A = arith.constant 0 : i32
      %scan3A_60 = arith.constant 0 : i32
      %scan3A_61 = arith.constant 0 : i32
      %scan3A_62 = arith.constant 0 : i32
      %scan3A_63 = arith.constant 0 : i32
      %scan3A_64 = arith.constant 4 : i32
      %scan3A_65 = arith.addi %scan3A_63, %scan3A_64 : i32
      %scan3A_66 = arith.constant 1 : i32
      %scan3A_67:5 = scf.for %scan3A_121 = %scan3A_63 to %scan3A_65 step %scan3A_66 iter_args(%scan3A_122 = %select_n3A_59, %scan3A_123 = %scan3A, %scan3A_124 = %scan3A_60, %scan3A_125 = %scan3A_61, %scan3A_126 = %scan3A_62) -> (i32, i32, i32, i32, i32)  : i32 {
        %eq3A_127 = arith.constant 0 : i32
        %eq3A_128 = arith.cmpi eq, %scan3A_121, %eq3A_127 : i32
        %eq3A_129 = arith.constant 3 : i32
        %eq3A_130 = arith.cmpi eq, %scan3A_121, %eq3A_129 : i32
        %add3A_131 = arith.addi %scan3A_126, %mul3A_6 : i32
        %sub3A_132 = arith.constant 1 : i32
        %sub3A_133 = arith.subi %scan3A_126, %sub3A_132 : i32
        %select_n3A_134 = arith.constant true
        %select_n3A_135 = arith.select %select_n3A_134, %sub3A_133, %scan3A_126 : i32
        %eq3A_136 = arith.constant -1 : i32
        %eq3A_137 = arith.cmpi eq, %select_n3A_135, %eq3A_136 : i32
        %select_n3A_138 = arith.constant 3 : i32
        %select_n3A_139 = arith.select %eq3A_137, %select_n3A_138, %select_n3A_135 : i32
        %add3A_140 = arith.addi %select_n3A_139, %mul3A_6 : i32
        %add3A_141 = arith.constant 1 : i32
        %add3A_142 = arith.addi %scan3A_126, %add3A_141 : i32
        %select_n3A_143 = arith.constant true
        %select_n3A_144 = arith.select %select_n3A_143, %add3A_142, %scan3A_126 : i32
        %eq3A_145 = arith.constant 4 : i32
        %eq3A_146 = arith.cmpi eq, %select_n3A_144, %eq3A_145 : i32
        %select_n3A_147 = arith.constant 0 : i32
        %select_n3A_148 = arith.select %eq3A_146, %select_n3A_147, %select_n3A_144 : i32
        %add3A_149 = arith.addi %select_n3A_148, %mul3A_6 : i32
        %add3A_150 = arith.constant 1 : i32
        %add3A_151 = arith.addi %select_n3A_148, %add3A_150 : i32
        %select_n3A_152 = arith.constant true
        %select_n3A_153 = arith.select %select_n3A_152, %add3A_151, %select_n3A_148 : i32
        %eq3A_154 = arith.constant 4 : i32
        %eq3A_155 = arith.cmpi eq, %select_n3A_153, %eq3A_154 : i32
        %select_n3A_156 = arith.constant 0 : i32
        %select_n3A_157 = arith.select %eq3A_155, %select_n3A_156, %select_n3A_153 : i32
        %add3A_158 = arith.addi %select_n3A_157, %mul3A_6 : i32
        %ne3A = arith.cmpi ne, %add3A_131, %add3A_149 : i32
        %or3A = arith.constant false
        %or3A_159 = arith.ori %or3A, %ne3A : i1
        %ge3A = arith.constant 3 : i32
        %ge3A_160 = arith.cmpi sge, %scan3A_121, %ge3A : i32
        %not3A = arith.constant true
        %not3A_161 = arith.xori %ge3A_160, %not3A : i1
        %and3A = arith.andi %or3A_159, %not3A_161 : i1
        %convert_element_type3A = arith.extui %and3A : i1 to i32
        %cond3A = arith.constant 0 : i32
        %cond3A_162 = arith.cmpi ne, %convert_element_type3A, %cond3A : i32
        scf.if %cond3A_162 {
          "tpu.trace_start"() <{level = 10 : i32, message = "ep_copy_in"}> : () -> ()
          %rem3A_264 = arith.constant 2 : i32
          %rem3A_265 = arith.remui %scan3A_122, %rem3A_264 : i32
          %mul3A_266 = arith.constant 128 : i32
          %mul3A_267 = arith.muli %mul3A_266, %add3A_149 : i32
          %dma_start3A_268 = arith.constant 0 : i32
          %dma_start3A_269 = arith.constant 0 : i32
          %dma_start3A_270 = tpu.memref_slice %run_scoped3A[%rem3A_265, %dma_start3A_268, %dma_start3A_269] : memref<2x1x128xi32, #tpu.memory_space<vmem>> -> memref<1x1x128xi32, #tpu.memory_space<vmem>>
          %dma_start3A_271 = tpu.memref_squeeze %dma_start3A_270 : memref<1x1x128xi32, #tpu.memory_space<vmem>> -> memref<1x128xi32, #tpu.memory_space<vmem>>
          %dma_start3A_272 = arith.constant 0 : i32
          %dma_start3A_273 = tpu.memref_slice %arg3[%dma_start3A_272, %mul3A_267] : memref<1x16384xi32, #tpu.memory_space<hbm>> -> memref<1x128xi32, #tpu.memory_space<hbm>>
          %dma_start3A_274 = tpu.memref_slice %run_scoped3A_7[%rem3A_265] : memref<2x!tpu.dma_semaphore, #tpu.memory_space<semaphore_mem>> -> memref<1x!tpu.dma_semaphore, #tpu.memory_space<semaphore_mem>>
          %dma_start3A_275 = tpu.memref_squeeze %dma_start3A_274 : memref<1x!tpu.dma_semaphore, #tpu.memory_space<semaphore_mem>> -> memref<!tpu.dma_semaphore, #tpu.memory_space<semaphore_mem>>
          %dma_start3A_276 = arith.constant 0 : i32
          %dma_start3A_277 = arith.constant 0 : i32
          %dma_start3A_278 = tpu.memref_slice %run_scoped3A[%rem3A_265, %dma_start3A_276, %dma_start3A_277] : memref<2x1x128xi32, #tpu.memory_space<vmem>> -> memref<1x1x128xi32, #tpu.memory_space<vmem>>
          %dma_start3A_279 = tpu.memref_squeeze %dma_start3A_278 : memref<1x1x128xi32, #tpu.memory_space<vmem>> -> memref<1x128xi32, #tpu.memory_space<vmem>>
          %dma_start3A_280 = arith.constant 0 : i32
          %dma_start3A_281 = tpu.memref_slice %arg3[%dma_start3A_280, %mul3A_267] : memref<1x16384xi32, #tpu.memory_space<hbm>> -> memref<1x128xi32, #tpu.memory_space<hbm>>
          tpu.enqueue_dma source(%dma_start3A_281 : memref<1x128xi32, #tpu.memory_space<hbm>>) target(%dma_start3A_279 : memref<1x128xi32, #tpu.memory_space<vmem>>) target_semaphore(%dma_start3A_275 : memref<!tpu.dma_semaphore, #tpu.memory_space<semaphore_mem>>)
          "tpu.trace_stop"() : () -> ()
        } else {
        }
        %and3A_163 = arith.constant true
        %and3A_164 = arith.andi %and3A, %and3A_163 : i1
        %add3A_165 = arith.constant 1 : i32
        %add3A_166 = arith.addi %scan3A_122, %add3A_165 : i32
        %select_n3A_167 = arith.select %and3A_164, %add3A_166, %scan3A_122 : i32
        %ne3A_168 = arith.cmpi ne, %add3A_131, %add3A_149 : i32
        %or3A_169 = arith.constant false
        %or3A_170 = arith.ori %or3A_169, %ne3A_168 : i1
        %or3A_171 = arith.constant false
        %or3A_172 = arith.ori %or3A_170, %or3A_171 : i1
        %ge3A_173 = arith.constant 3 : i32
        %ge3A_174 = arith.cmpi sge, %scan3A_121, %ge3A_173 : i32
        %not3A_175 = arith.constant true
        %not3A_176 = arith.xori %ge3A_174, %not3A_175 : i1
        %and3A_177 = arith.andi %or3A_172, %not3A_176 : i1
        %ne3A_178 = arith.cmpi ne, %add3A_131, %add3A_140 : i32
        %or3A_179 = arith.constant false
        %or3A_180 = arith.ori %or3A_179, %ne3A_178 : i1
        %or3A_181 = arith.ori %or3A_180, %eq3A_128 : i1
        %convert_element_type3A_182 = arith.extui %or3A_181 : i1 to i32
        %cond3A_183 = arith.constant 0 : i32
        %cond3A_184 = arith.cmpi ne, %convert_element_type3A_182, %cond3A_183 : i32
        scf.if %cond3A_184 {
          "tpu.trace_start"() <{level = 10 : i32, message = "ep_wait_in"}> : () -> ()
          %mul3A_264 = arith.constant 128 : i32
          %mul3A_265 = arith.muli %mul3A_264, %add3A_131 : i32
          %rem3A_266 = arith.constant 2 : i32
          %rem3A_267 = arith.remui %scan3A_123, %rem3A_266 : i32
          %dma_wait3A_268 = arith.constant 0 : i32
          %dma_wait3A_269 = arith.constant 0 : i32
          %dma_wait3A_270 = tpu.memref_slice %run_scoped3A[%rem3A_267, %dma_wait3A_268, %dma_wait3A_269] : memref<2x1x128xi32, #tpu.memory_space<vmem>> -> memref<1x1x128xi32, #tpu.memory_space<vmem>>
          %dma_wait3A_271 = tpu.memref_squeeze %dma_wait3A_270 : memref<1x1x128xi32, #tpu.memory_space<vmem>> -> memref<1x128xi32, #tpu.memory_space<vmem>>
          %dma_wait3A_272 = arith.constant 0 : i32
          %dma_wait3A_273 = tpu.memref_slice %arg3[%dma_wait3A_272, %mul3A_265] : memref<1x16384xi32, #tpu.memory_space<hbm>> -> memref<1x128xi32, #tpu.memory_space<hbm>>
          %dma_wait3A_274 = tpu.memref_slice %run_scoped3A_7[%rem3A_267] : memref<2x!tpu.dma_semaphore, #tpu.memory_space<semaphore_mem>> -> memref<1x!tpu.dma_semaphore, #tpu.memory_space<semaphore_mem>>
          %dma_wait3A_275 = tpu.memref_squeeze %dma_wait3A_274 : memref<1x!tpu.dma_semaphore, #tpu.memory_space<semaphore_mem>> -> memref<!tpu.dma_semaphore, #tpu.memory_space<semaphore_mem>>
          %dma_wait3A_276 = arith.constant 0 : i32
          %dma_wait3A_277 = arith.constant 0 : i32
          %dma_wait3A_278 = tpu.memref_slice %run_scoped3A[%rem3A_267, %dma_wait3A_276, %dma_wait3A_277] : memref<2x1x128xi32, #tpu.memory_space<vmem>> -> memref<1x1x128xi32, #tpu.memory_space<vmem>>
          %dma_wait3A_279 = tpu.memref_squeeze %dma_wait3A_278 : memref<1x1x128xi32, #tpu.memory_space<vmem>> -> memref<1x128xi32, #tpu.memory_space<vmem>>
          %dma_wait3A_280 = arith.constant 0 : i32
          %dma_wait3A_281 = tpu.memref_slice %arg3[%dma_wait3A_280, %mul3A_265] : memref<1x16384xi32, #tpu.memory_space<hbm>> -> memref<1x128xi32, #tpu.memory_space<hbm>>
          tpu.wait_dma2 semaphore(%dma_wait3A_275 : memref<!tpu.dma_semaphore, #tpu.memory_space<semaphore_mem>>) src(%dma_wait3A_281 : memref<1x128xi32, #tpu.memory_space<hbm>>) dst(%dma_wait3A_279 : memref<1x128xi32, #tpu.memory_space<vmem>>)
          "tpu.trace_stop"() : () -> ()
        } else {
        }
        %ne3A_185 = arith.cmpi ne, %add3A_131, %add3A_140 : i32
        %or3A_186 = arith.constant false
        %or3A_187 = arith.ori %or3A_186, %ne3A_185 : i1
        %or3A_188 = arith.constant false
        %or3A_189 = arith.ori %or3A_187, %or3A_188 : i1
        %or3A_190 = arith.ori %or3A_189, %eq3A_128 : i1
        %convert_element_type3A_191 = arith.extui %or3A_190 : i1 to i32
        %cond3A_192 = arith.constant 0 : i32
        %cond3A_193 = arith.cmpi ne, %convert_element_type3A_191, %cond3A_192 : i32
        scf.if %cond3A_193 {
        } else {
        }
        %rem3A_194 = arith.constant 2 : i32
        %rem3A_195 = arith.remui %scan3A_123, %rem3A_194 : i32
        %rem3A_196 = arith.constant 2 : i32
        %rem3A_197 = arith.remui %scan3A_124, %rem3A_196 : i32
        %run_scoped3A_198 = arith.constant 0 : i32
        "tpu.trace_start"() <{level = 10 : i32, message = "ep_run_kernel"}> : () -> ()
        "tpu.region"() ({
          %run_scoped3A_264 = tpu.sem_alloc : memref<!tpu.dma_semaphore, #tpu.memory_space<semaphore_mem>>
          %dma_start3A_265 = arith.constant 0 : i32
          %dma_start3A_266 = arith.constant 0 : i32
          %dma_start3A_267 = tpu.memref_slice %run_scoped3A_8[%rem3A_197, %dma_start3A_265, %dma_start3A_266] : memref<2x128x128xf32, #tpu.memory_space<vmem>> -> memref<1x128x128xf32, #tpu.memory_space<vmem>>
          %dma_start3A_268 = tpu.memref_squeeze %dma_start3A_267 : memref<1x128x128xf32, #tpu.memory_space<vmem>> -> memref<128x128xf32, #tpu.memory_space<vmem>>
          %dma_start3A_269 = arith.constant 0 : i32
          %dma_start3A_270 = arith.constant 0 : i32
          %dma_start3A_271 = tpu.memref_slice %run_scoped3A[%rem3A_195, %dma_start3A_269, %dma_start3A_270] : memref<2x1x128xi32, #tpu.memory_space<vmem>> -> memref<1x1x128xi32, #tpu.memory_space<vmem>>
          %dma_start3A_272 = tpu.memref_squeeze %dma_start3A_271 : memref<1x1x128xi32, #tpu.memory_space<vmem>> -> memref<1x128xi32, #tpu.memory_space<vmem>>
          %dma_start3A_273 = arith.constant 0 : i32
          %dma_start3A_274 = tpu.memref_slice %dma_start3A_272[%run_scoped3A_198, %dma_start3A_273] : memref<1x128xi32, #tpu.memory_space<vmem>> -> memref<1x128xi32, #tpu.memory_space<vmem>>
          %dma_start3A_275 = tpu.memref_squeeze %dma_start3A_274 : memref<1x128xi32, #tpu.memory_space<vmem>> -> memref<128xi32, #tpu.memory_space<vmem>>
          %dma_start3A_276 = arith.constant 0 : i32
          %dma_start3A_277 = arith.constant 0 : i32
          %dma_start3A_278 = tpu.memref_slice %arg2[%dma_start3A_276, %dma_start3A_277] : memref<1024x128xf32, #tpu.memory_space<hbm>> -> memref<1024x128xf32, #tpu.memory_space<hbm>>
          tpu.enqueue_indirect_dma source(%dma_start3A_278 : memref<1024x128xf32, #tpu.memory_space<hbm>>) target(%dma_start3A_268 : memref<128x128xf32, #tpu.memory_space<vmem>>) offsets(%dma_start3A_275 : memref<128xi32, #tpu.memory_space<vmem>>) semaphore(%run_scoped3A_264 : memref<!tpu.dma_semaphore, #tpu.memory_space<semaphore_mem>>)
          %dma_wait3A_279 = arith.constant 0 : i32
          %dma_wait3A_280 = arith.constant 0 : i32
          %dma_wait3A_281 = tpu.memref_slice %run_scoped3A_8[%rem3A_197, %dma_wait3A_279, %dma_wait3A_280] : memref<2x128x128xf32, #tpu.memory_space<vmem>> -> memref<1x128x128xf32, #tpu.memory_space<vmem>>
          %dma_wait3A_282 = tpu.memref_squeeze %dma_wait3A_281 : memref<1x128x128xf32, #tpu.memory_space<vmem>> -> memref<128x128xf32, #tpu.memory_space<vmem>>
          %dma_wait3A_283 = arith.constant 0 : i32
          %dma_wait3A_284 = arith.constant 0 : i32
          %dma_wait3A_285 = tpu.memref_slice %run_scoped3A[%rem3A_195, %dma_wait3A_283, %dma_wait3A_284] : memref<2x1x128xi32, #tpu.memory_space<vmem>> -> memref<1x1x128xi32, #tpu.memory_space<vmem>>
          %dma_wait3A_286 = tpu.memref_squeeze %dma_wait3A_285 : memref<1x1x128xi32, #tpu.memory_space<vmem>> -> memref<1x128xi32, #tpu.memory_space<vmem>>
          %dma_wait3A_287 = arith.constant 0 : i32
          %dma_wait3A_288 = tpu.memref_slice %dma_wait3A_286[%run_scoped3A_198, %dma_wait3A_287] : memref<1x128xi32, #tpu.memory_space<vmem>> -> memref<1x128xi32, #tpu.memory_space<vmem>>
          %dma_wait3A_289 = tpu.memref_squeeze %dma_wait3A_288 : memref<1x128xi32, #tpu.memory_space<vmem>> -> memref<128xi32, #tpu.memory_space<vmem>>
          %dma_wait3A_290 = arith.constant 0 : i32
          %dma_wait3A_291 = arith.constant 0 : i32
          %dma_wait3A_292 = tpu.memref_slice %arg2[%dma_wait3A_290, %dma_wait3A_291] : memref<1024x128xf32, #tpu.memory_space<hbm>> -> memref<1024x128xf32, #tpu.memory_space<hbm>>
          tpu.wait_indirect_dma semaphore(%run_scoped3A_264 : memref<!tpu.dma_semaphore, #tpu.memory_space<semaphore_mem>>) src(%dma_wait3A_292 : memref<1024x128xf32, #tpu.memory_space<hbm>>) dst(%dma_wait3A_282 : memref<128x128xf32, #tpu.memory_space<vmem>>)
          tpu.yield
        }) : () -> ()
        "tpu.trace_stop"() : () -> ()
        %ne3A_199 = arith.cmpi ne, %add3A_131, %add3A_149 : i32
        %or3A_200 = arith.constant false
        %or3A_201 = arith.ori %or3A_200, %ne3A_199 : i1
        %or3A_202 = arith.ori %or3A_201, %eq3A_130 : i1
        %convert_element_type3A_203 = arith.extui %or3A_202 : i1 to i32
        %cond3A_204 = arith.constant 0 : i32
        %cond3A_205 = arith.cmpi ne, %convert_element_type3A_203, %cond3A_204 : i32
        scf.if %cond3A_205 {
        } else {
        }
        %and3A_206 = arith.constant false
        %and3A_207 = arith.andi %or3A_202, %and3A_206 : i1
        %ne3A_208 = arith.cmpi ne, %add3A_131, %add3A_149 : i32
        %or3A_209 = arith.constant false
        %or3A_210 = arith.ori %or3A_209, %ne3A_208 : i1
        %or3A_211 = arith.constant false
        %or3A_212 = arith.ori %or3A_210, %or3A_211 : i1
        %or3A_213 = arith.ori %or3A_212, %eq3A_130 : i1
        %convert_element_type3A_214 = arith.extui %or3A_213 : i1 to i32
        %cond3A_215 = arith.constant 0 : i32
        %cond3A_216 = arith.cmpi ne, %convert_element_type3A_214, %cond3A_215 : i32
        scf.if %cond3A_216 {
          "tpu.trace_start"() <{level = 10 : i32, message = "ep_copy_out"}> : () -> ()
          %rem3A_264 = arith.constant 2 : i32
          %rem3A_265 = arith.remui %scan3A_124, %rem3A_264 : i32
          %mul3A_266 = arith.constant 128 : i32
          %mul3A_267 = arith.muli %mul3A_266, %add3A_131 : i32
          %dma_start3A_268 = arith.constant 0 : i32
          %dma_start3A_269 = arith.constant 0 : i32
          %dma_start3A_270 = tpu.memref_slice %run_scoped3A_8[%rem3A_265, %dma_start3A_268, %dma_start3A_269] : memref<2x128x128xf32, #tpu.memory_space<vmem>> -> memref<1x128x128xf32, #tpu.memory_space<vmem>>
          %dma_start3A_271 = tpu.memref_squeeze %dma_start3A_270 : memref<1x128x128xf32, #tpu.memory_space<vmem>> -> memref<128x128xf32, #tpu.memory_space<vmem>>
          %dma_start3A_272 = arith.constant 0 : i32
          %dma_start3A_273 = tpu.memref_slice %arg4[%mul3A_267, %dma_start3A_272] : memref<16384x128xf32, #tpu.memory_space<hbm>> -> memref<128x128xf32, #tpu.memory_space<hbm>>
          %dma_start3A_274 = tpu.memref_slice %run_scoped3A_9[%rem3A_265] : memref<2x!tpu.dma_semaphore, #tpu.memory_space<semaphore_mem>> -> memref<1x!tpu.dma_semaphore, #tpu.memory_space<semaphore_mem>>
          %dma_start3A_275 = tpu.memref_squeeze %dma_start3A_274 : memref<1x!tpu.dma_semaphore, #tpu.memory_space<semaphore_mem>> -> memref<!tpu.dma_semaphore, #tpu.memory_space<semaphore_mem>>
          %dma_start3A_276 = arith.constant 0 : i32
          %dma_start3A_277 = tpu.memref_slice %arg4[%mul3A_267, %dma_start3A_276] : memref<16384x128xf32, #tpu.memory_space<hbm>> -> memref<128x128xf32, #tpu.memory_space<hbm>>
          %dma_start3A_278 = arith.constant 0 : i32
          %dma_start3A_279 = arith.constant 0 : i32
          %dma_start3A_280 = tpu.memref_slice %run_scoped3A_8[%rem3A_265, %dma_start3A_278, %dma_start3A_279] : memref<2x128x128xf32, #tpu.memory_space<vmem>> -> memref<1x128x128xf32, #tpu.memory_space<vmem>>
          %dma_start3A_281 = tpu.memref_squeeze %dma_start3A_280 : memref<1x128x128xf32, #tpu.memory_space<vmem>> -> memref<128x128xf32, #tpu.memory_space<vmem>>
          tpu.enqueue_dma source(%dma_start3A_281 : memref<128x128xf32, #tpu.memory_space<vmem>>) target(%dma_start3A_277 : memref<128x128xf32, #tpu.memory_space<hbm>>) target_semaphore(%dma_start3A_275 : memref<!tpu.dma_semaphore, #tpu.memory_space<semaphore_mem>>)
          "tpu.trace_stop"() : () -> ()
        } else {
        }
        %and3A_217 = arith.constant true
        %and3A_218 = arith.andi %or3A_213, %and3A_217 : i1
        %add3A_219 = arith.constant 1 : i32
        %add3A_220 = arith.addi %scan3A_124, %add3A_219 : i32
        %select_n3A_221 = arith.select %and3A_218, %add3A_220, %scan3A_124 : i32
        %ne3A_222 = arith.cmpi ne, %add3A_131, %add3A_140 : i32
        %or3A_223 = arith.constant false
        %or3A_224 = arith.ori %or3A_223, %ne3A_222 : i1
        %not3A_225 = arith.constant true
        %not3A_226 = arith.xori %eq3A_128, %not3A_225 : i1
        %and3A_227 = arith.andi %or3A_224, %not3A_226 : i1
        %convert_element_type3A_228 = arith.extui %and3A_227 : i1 to i32
        %cond3A_229 = arith.constant 0 : i32
        %cond3A_230 = arith.cmpi ne, %convert_element_type3A_228, %cond3A_229 : i32
        scf.if %cond3A_230 {
        } else {
        }
        %and3A_231 = arith.constant false
        %and3A_232 = arith.andi %and3A_227, %and3A_231 : i1
        %ne3A_233 = arith.cmpi ne, %add3A_131, %add3A_140 : i32
        %or3A_234 = arith.constant false
        %or3A_235 = arith.ori %or3A_234, %ne3A_233 : i1
        %or3A_236 = arith.constant false
        %or3A_237 = arith.ori %or3A_235, %or3A_236 : i1
        %not3A_238 = arith.constant true
        %not3A_239 = arith.xori %eq3A_128, %not3A_238 : i1
        %and3A_240 = arith.andi %or3A_237, %not3A_239 : i1
        %convert_element_type3A_241 = arith.extui %and3A_240 : i1 to i32
        %cond3A_242 = arith.constant 0 : i32
        %cond3A_243 = arith.cmpi ne, %convert_element_type3A_241, %cond3A_242 : i32
        scf.if %cond3A_243 {
          "tpu.trace_start"() <{level = 10 : i32, message = "ep_wait_out"}> : () -> ()
          %rem3A_264 = arith.constant 2 : i32
          %rem3A_265 = arith.remui %scan3A_125, %rem3A_264 : i32
          %mul3A_266 = arith.constant 128 : i32
          %mul3A_267 = arith.muli %mul3A_266, %add3A_140 : i32
          %dma_wait3A_268 = arith.constant 0 : i32
          %dma_wait3A_269 = arith.constant 0 : i32
          %dma_wait3A_270 = tpu.memref_slice %run_scoped3A_8[%rem3A_265, %dma_wait3A_268, %dma_wait3A_269] : memref<2x128x128xf32, #tpu.memory_space<vmem>> -> memref<1x128x128xf32, #tpu.memory_space<vmem>>
          %dma_wait3A_271 = tpu.memref_squeeze %dma_wait3A_270 : memref<1x128x128xf32, #tpu.memory_space<vmem>> -> memref<128x128xf32, #tpu.memory_space<vmem>>
          %dma_wait3A_272 = arith.constant 0 : i32
          %dma_wait3A_273 = tpu.memref_slice %arg4[%mul3A_267, %dma_wait3A_272] : memref<16384x128xf32, #tpu.memory_space<hbm>> -> memref<128x128xf32, #tpu.memory_space<hbm>>
          %dma_wait3A_274 = tpu.memref_slice %run_scoped3A_9[%rem3A_265] : memref<2x!tpu.dma_semaphore, #tpu.memory_space<semaphore_mem>> -> memref<1x!tpu.dma_semaphore, #tpu.memory_space<semaphore_mem>>
          %dma_wait3A_275 = tpu.memref_squeeze %dma_wait3A_274 : memref<1x!tpu.dma_semaphore, #tpu.memory_space<semaphore_mem>> -> memref<!tpu.dma_semaphore, #tpu.memory_space<semaphore_mem>>
          %dma_wait3A_276 = arith.constant 0 : i32
          %dma_wait3A_277 = tpu.memref_slice %arg4[%mul3A_267, %dma_wait3A_276] : memref<16384x128xf32, #tpu.memory_space<hbm>> -> memref<128x128xf32, #tpu.memory_space<hbm>>
          %dma_wait3A_278 = arith.constant 0 : i32
          %dma_wait3A_279 = arith.constant 0 : i32
          %dma_wait3A_280 = tpu.memref_slice %run_scoped3A_8[%rem3A_265, %dma_wait3A_278, %dma_wait3A_279] : memref<2x128x128xf32, #tpu.memory_space<vmem>> -> memref<1x128x128xf32, #tpu.memory_space<vmem>>
          %dma_wait3A_281 = tpu.memref_squeeze %dma_wait3A_280 : memref<1x128x128xf32, #tpu.memory_space<vmem>> -> memref<128x128xf32, #tpu.memory_space<vmem>>
          tpu.wait_dma2 semaphore(%dma_wait3A_275 : memref<!tpu.dma_semaphore, #tpu.memory_space<semaphore_mem>>) src(%dma_wait3A_281 : memref<128x128xf32, #tpu.memory_space<vmem>>) dst(%dma_wait3A_277 : memref<128x128xf32, #tpu.memory_space<hbm>>)
          "tpu.trace_stop"() : () -> ()
        } else {
        }
        %and3A_244 = arith.constant true
        %and3A_245 = arith.andi %and3A_240, %and3A_244 : i1
        %add3A_246 = arith.constant 1 : i32
        %add3A_247 = arith.addi %scan3A_125, %add3A_246 : i32
        %select_n3A_248 = arith.select %and3A_245, %add3A_247, %scan3A_125 : i32
        %ne3A_249 = arith.cmpi ne, %add3A_131, %add3A_149 : i32
        %or3A_250 = arith.constant false
        %or3A_251 = arith.ori %or3A_250, %ne3A_249 : i1
        %or3A_252 = arith.ori %or3A_251, %eq3A_130 : i1
        %add3A_253 = arith.constant 1 : i32
        %add3A_254 = arith.addi %scan3A_123, %add3A_253 : i32
        %select_n3A_255 = arith.select %or3A_252, %add3A_254, %scan3A_123 : i32
        %add3A_256 = arith.constant 1 : i32
        %add3A_257 = arith.addi %scan3A_126, %add3A_256 : i32
        %select_n3A_258 = arith.constant true
        %select_n3A_259 = arith.select %select_n3A_258, %add3A_257, %scan3A_126 : i32
        %eq3A_260 = arith.constant 4 : i32
        %eq3A_261 = arith.cmpi eq, %select_n3A_259, %eq3A_260 : i32
        %select_n3A_262 = arith.constant 0 : i32
        %select_n3A_263 = arith.select %eq3A_261, %select_n3A_262, %select_n3A_259 : i32
        scf.yield %select_n3A_167, %select_n3A_255, %select_n3A_221, %select_n3A_248, %select_n3A_263 : i32, i32, i32, i32, i32
      }
      %scan3A_68 = arith.constant 4 : i32
      %sub3A = arith.constant 1 : i32
      %sub3A_69 = arith.subi %scan3A_67#4, %sub3A : i32
      %select_n3A_70 = arith.constant true
      %select_n3A_71 = arith.select %select_n3A_70, %sub3A_69, %scan3A_67#4 : i32
      %eq3A_72 = arith.constant -1 : i32
      %eq3A_73 = arith.cmpi eq, %select_n3A_71, %eq3A_72 : i32
      %select_n3A_74 = arith.constant 3 : i32
      %select_n3A_75 = arith.select %eq3A_73, %select_n3A_74, %select_n3A_71 : i32
      %add3A_76 = arith.addi %select_n3A_75, %mul3A_6 : i32
      %sub3A_77 = arith.constant 1 : i32
      %sub3A_78 = arith.subi %select_n3A_75, %sub3A_77 : i32
      %select_n3A_79 = arith.constant true
      %select_n3A_80 = arith.select %select_n3A_79, %sub3A_78, %select_n3A_75 : i32
      %eq3A_81 = arith.constant -1 : i32
      %eq3A_82 = arith.cmpi eq, %select_n3A_80, %eq3A_81 : i32
      %select_n3A_83 = arith.constant 3 : i32
      %select_n3A_84 = arith.select %eq3A_82, %select_n3A_83, %select_n3A_80 : i32
      %add3A_85 = arith.addi %select_n3A_84, %mul3A_6 : i32
      %add3A_86 = arith.constant 1 : i32
      %add3A_87 = arith.addi %select_n3A_75, %add3A_86 : i32
      %select_n3A_88 = arith.constant true
      %select_n3A_89 = arith.select %select_n3A_88, %add3A_87, %select_n3A_75 : i32
      %eq3A_90 = arith.constant 4 : i32
      %eq3A_91 = arith.cmpi eq, %select_n3A_89, %eq3A_90 : i32
      %select_n3A_92 = arith.constant 0 : i32
      %select_n3A_93 = arith.select %eq3A_91, %select_n3A_92, %select_n3A_89 : i32
      %add3A_94 = arith.addi %select_n3A_93, %mul3A_6 : i32
      %add3A_95 = arith.constant 1 : i32
      %add3A_96 = arith.addi %select_n3A_93, %add3A_95 : i32
      %select_n3A_97 = arith.constant true
      %select_n3A_98 = arith.select %select_n3A_97, %add3A_96, %select_n3A_93 : i32
      %eq3A_99 = arith.constant 4 : i32
      %eq3A_100 = arith.cmpi eq, %select_n3A_98, %eq3A_99 : i32
      %select_n3A_101 = arith.constant 0 : i32
      %select_n3A_102 = arith.select %eq3A_100, %select_n3A_101, %select_n3A_98 : i32
      %add3A_103 = arith.addi %select_n3A_102, %mul3A_6 : i32
      "tpu.trace_start"() <{level = 10 : i32, message = "ep_finalize"}> : () -> ()
      %rem3A_104 = arith.constant 2 : i32
      %rem3A_105 = arith.remui %scan3A_67#3, %rem3A_104 : i32
      %mul3A_106 = arith.constant 128 : i32
      %mul3A_107 = arith.muli %mul3A_106, %add3A_76 : i32
      %dma_wait3A = arith.constant 0 : i32
      %dma_wait3A_108 = arith.constant 0 : i32
      %dma_wait3A_109 = tpu.memref_slice %run_scoped3A_8[%rem3A_105, %dma_wait3A, %dma_wait3A_108] : memref<2x128x128xf32, #tpu.memory_space<vmem>> -> memref<1x128x128xf32, #tpu.memory_space<vmem>>
      %dma_wait3A_110 = tpu.memref_squeeze %dma_wait3A_109 : memref<1x128x128xf32, #tpu.memory_space<vmem>> -> memref<128x128xf32, #tpu.memory_space<vmem>>
      %dma_wait3A_111 = arith.constant 0 : i32
      %dma_wait3A_112 = tpu.memref_slice %arg4[%mul3A_107, %dma_wait3A_111] : memref<16384x128xf32, #tpu.memory_space<hbm>> -> memref<128x128xf32, #tpu.memory_space<hbm>>
      %dma_wait3A_113 = tpu.memref_slice %run_scoped3A_9[%rem3A_105] : memref<2x!tpu.dma_semaphore, #tpu.memory_space<semaphore_mem>> -> memref<1x!tpu.dma_semaphore, #tpu.memory_space<semaphore_mem>>
      %dma_wait3A_114 = tpu.memref_squeeze %dma_wait3A_113 : memref<1x!tpu.dma_semaphore, #tpu.memory_space<semaphore_mem>> -> memref<!tpu.dma_semaphore, #tpu.memory_space<semaphore_mem>>
      %dma_wait3A_115 = arith.constant 0 : i32
      %dma_wait3A_116 = tpu.memref_slice %arg4[%mul3A_107, %dma_wait3A_115] : memref<16384x128xf32, #tpu.memory_space<hbm>> -> memref<128x128xf32, #tpu.memory_space<hbm>>
      %dma_wait3A_117 = arith.constant 0 : i32
      %dma_wait3A_118 = arith.constant 0 : i32
      %dma_wait3A_119 = tpu.memref_slice %run_scoped3A_8[%rem3A_105, %dma_wait3A_117, %dma_wait3A_118] : memref<2x128x128xf32, #tpu.memory_space<vmem>> -> memref<1x128x128xf32, #tpu.memory_space<vmem>>
      %dma_wait3A_120 = tpu.memref_squeeze %dma_wait3A_119 : memref<1x128x128xf32, #tpu.memory_space<vmem>> -> memref<128x128xf32, #tpu.memory_space<vmem>>
      tpu.wait_dma2 semaphore(%dma_wait3A_114 : memref<!tpu.dma_semaphore, #tpu.memory_space<semaphore_mem>>) src(%dma_wait3A_120 : memref<128x128xf32, #tpu.memory_space<vmem>>) dst(%dma_wait3A_116 : memref<128x128xf32, #tpu.memory_space<hbm>>)
      "tpu.trace_stop"() : () -> ()
      tpu.yield
    }) : () -> ()
    return
  }
}

module attributes {stable_mosaic.version = 14 : i64} {
  func.func @_decode_table(%arg0: memref<1024x16xf32, #tpu.memory_space<vmem>>, %arg1: memref<16x64xf32, #tpu.memory_space<vmem>>, %arg2: memref<1x64xf32, #tpu.memory_space<vmem>>, %arg3: memref<64x16xf32, #tpu.memory_space<vmem>>, %arg4: memref<1x16xf32, #tpu.memory_space<vmem>>, %arg5: memref<16x64xf32, #tpu.memory_space<vmem>>, %arg6: memref<1x64xf32, #tpu.memory_space<vmem>>, %arg7: memref<64x16xf32, #tpu.memory_space<vmem>>, %arg8: memref<1x16xf32, #tpu.memory_space<vmem>>, %arg9: memref<16x32xf32, #tpu.memory_space<vmem>>, %arg10: memref<1x32xf32, #tpu.memory_space<vmem>>, %arg11: memref<32x64xf32, #tpu.memory_space<vmem>>, %arg12: memref<1x64xf32, #tpu.memory_space<vmem>>, %arg13: memref<64x128xf32, #tpu.memory_space<vmem>>, %arg14: memref<1x128xf32, #tpu.memory_space<vmem>>, %arg15: memref<16x128xf32, #tpu.memory_space<vmem>>, %arg16: memref<1x128xf32, #tpu.memory_space<vmem>>, %arg17: memref<1024x128xf32, #tpu.memory_space<vmem>>) attributes {dimension_semantics = [], scalar_prefetch = 0 : i64, scratch_operands = 0 : i64, tpu.core_type = #tpu.core_type<tc>} {
    %get3A = arith.constant 0 : index
    %get3A_0 = arith.constant 0 : index
    %get3A_1 = vector.load %arg0[%get3A, %get3A_0] : memref<1024x16xf32, #tpu.memory_space<vmem>>, vector<1024x16xf32>
    %max3A = arith.constant 0.000000e+00 : f32
    %max3A_2 = vector.broadcast %max3A : f32 to vector<1024x16xf32>
    %max3A_3 = arith.maximumf %get3A_1, %max3A_2 : vector<1024x16xf32>
    %get3A_4 = arith.constant 0 : index
    %get3A_5 = arith.constant 0 : index
    %get3A_6 = vector.load %arg1[%get3A_4, %get3A_5] : memref<16x64xf32, #tpu.memory_space<vmem>>, vector<16x64xf32>
    %convert_element_type3A = arith.truncf %max3A_3 : vector<1024x16xf32> to vector<1024x16xbf16>
    %convert_element_type3A_7 = arith.truncf %get3A_6 : vector<16x64xf32> to vector<16x64xbf16>
    %dot_general3A = arith.constant dense<0.000000e+00> : vector<1024x64xf32>
    %dot_general3A_8 = tpu.matmul %convert_element_type3A, %convert_element_type3A_7, %dot_general3A {dimension_numbers = #tpu.dot_dimension_numbers<[1], [0], [0], [1], [0, 0, 1, 1], [], []>, transpose_lhs_hint = false} : vector<1024x16xbf16>, vector<16x64xbf16>, vector<1024x64xf32> -> vector<1024x64xf32>
    %get3A_9 = arith.constant 0 : index
    %get3A_10 = arith.constant 0 : index
    %get3A_11 = vector.load %arg2[%get3A_9, %get3A_10] : memref<1x64xf32, #tpu.memory_space<vmem>>, vector<1x64xf32>
    %add3A = vector.broadcast %get3A_11 : vector<1x64xf32> to vector<1024x64xf32>
    %add3A_12 = arith.addf %dot_general3A_8, %add3A : vector<1024x64xf32>
    %max3A_13 = arith.constant 0.000000e+00 : f32
    %max3A_14 = vector.broadcast %max3A_13 : f32 to vector<1024x64xf32>
    %max3A_15 = arith.maximumf %add3A_12, %max3A_14 : vector<1024x64xf32>
    %get3A_16 = arith.constant 0 : index
    %get3A_17 = arith.constant 0 : index
    %get3A_18 = vector.load %arg3[%get3A_16, %get3A_17] : memref<64x16xf32, #tpu.memory_space<vmem>>, vector<64x16xf32>
    %convert_element_type3A_19 = arith.truncf %max3A_15 : vector<1024x64xf32> to vector<1024x64xbf16>
    %convert_element_type3A_20 = arith.truncf %get3A_18 : vector<64x16xf32> to vector<64x16xbf16>
    %dot_general3A_21 = arith.constant dense<0.000000e+00> : vector<1024x16xf32>
    %dot_general3A_22 = tpu.matmul %convert_element_type3A_19, %convert_element_type3A_20, %dot_general3A_21 {dimension_numbers = #tpu.dot_dimension_numbers<[1], [0], [0], [1], [0, 0, 1, 1], [], []>, transpose_lhs_hint = false} : vector<1024x64xbf16>, vector<64x16xbf16>, vector<1024x16xf32> -> vector<1024x16xf32>
    %get3A_23 = arith.constant 0 : index
    %get3A_24 = arith.constant 0 : index
    %get3A_25 = vector.load %arg4[%get3A_23, %get3A_24] : memref<1x16xf32, #tpu.memory_space<vmem>>, vector<1x16xf32>
    %add3A_26 = vector.broadcast %get3A_25 : vector<1x16xf32> to vector<1024x16xf32>
    %add3A_27 = arith.addf %dot_general3A_22, %add3A_26 : vector<1024x16xf32>
    %add3A_28 = arith.addf %get3A_1, %add3A_27 : vector<1024x16xf32>
    %max3A_29 = arith.constant 0.000000e+00 : f32
    %max3A_30 = vector.broadcast %max3A_29 : f32 to vector<1024x16xf32>
    %max3A_31 = arith.maximumf %add3A_28, %max3A_30 : vector<1024x16xf32>
    %get3A_32 = arith.constant 0 : index
    %get3A_33 = arith.constant 0 : index
    %get3A_34 = vector.load %arg5[%get3A_32, %get3A_33] : memref<16x64xf32, #tpu.memory_space<vmem>>, vector<16x64xf32>
    %convert_element_type3A_35 = arith.truncf %max3A_31 : vector<1024x16xf32> to vector<1024x16xbf16>
    %convert_element_type3A_36 = arith.truncf %get3A_34 : vector<16x64xf32> to vector<16x64xbf16>
    %dot_general3A_37 = arith.constant dense<0.000000e+00> : vector<1024x64xf32>
    %dot_general3A_38 = tpu.matmul %convert_element_type3A_35, %convert_element_type3A_36, %dot_general3A_37 {dimension_numbers = #tpu.dot_dimension_numbers<[1], [0], [0], [1], [0, 0, 1, 1], [], []>, transpose_lhs_hint = false} : vector<1024x16xbf16>, vector<16x64xbf16>, vector<1024x64xf32> -> vector<1024x64xf32>
    %get3A_39 = arith.constant 0 : index
    %get3A_40 = arith.constant 0 : index
    %get3A_41 = vector.load %arg6[%get3A_39, %get3A_40] : memref<1x64xf32, #tpu.memory_space<vmem>>, vector<1x64xf32>
    %add3A_42 = vector.broadcast %get3A_41 : vector<1x64xf32> to vector<1024x64xf32>
    %add3A_43 = arith.addf %dot_general3A_38, %add3A_42 : vector<1024x64xf32>
    %max3A_44 = arith.constant 0.000000e+00 : f32
    %max3A_45 = vector.broadcast %max3A_44 : f32 to vector<1024x64xf32>
    %max3A_46 = arith.maximumf %add3A_43, %max3A_45 : vector<1024x64xf32>
    %get3A_47 = arith.constant 0 : index
    %get3A_48 = arith.constant 0 : index
    %get3A_49 = vector.load %arg7[%get3A_47, %get3A_48] : memref<64x16xf32, #tpu.memory_space<vmem>>, vector<64x16xf32>
    %convert_element_type3A_50 = arith.truncf %max3A_46 : vector<1024x64xf32> to vector<1024x64xbf16>
    %convert_element_type3A_51 = arith.truncf %get3A_49 : vector<64x16xf32> to vector<64x16xbf16>
    %dot_general3A_52 = arith.constant dense<0.000000e+00> : vector<1024x16xf32>
    %dot_general3A_53 = tpu.matmul %convert_element_type3A_50, %convert_element_type3A_51, %dot_general3A_52 {dimension_numbers = #tpu.dot_dimension_numbers<[1], [0], [0], [1], [0, 0, 1, 1], [], []>, transpose_lhs_hint = false} : vector<1024x64xbf16>, vector<64x16xbf16>, vector<1024x16xf32> -> vector<1024x16xf32>
    %get3A_54 = arith.constant 0 : index
    %get3A_55 = arith.constant 0 : index
    %get3A_56 = vector.load %arg8[%get3A_54, %get3A_55] : memref<1x16xf32, #tpu.memory_space<vmem>>, vector<1x16xf32>
    %add3A_57 = vector.broadcast %get3A_56 : vector<1x16xf32> to vector<1024x16xf32>
    %add3A_58 = arith.addf %dot_general3A_53, %add3A_57 : vector<1024x16xf32>
    %add3A_59 = arith.addf %add3A_28, %add3A_58 : vector<1024x16xf32>
    %get3A_60 = arith.constant 0 : index
    %get3A_61 = arith.constant 0 : index
    %get3A_62 = vector.load %arg9[%get3A_60, %get3A_61] : memref<16x32xf32, #tpu.memory_space<vmem>>, vector<16x32xf32>
    %convert_element_type3A_63 = arith.truncf %add3A_59 : vector<1024x16xf32> to vector<1024x16xbf16>
    %convert_element_type3A_64 = arith.truncf %get3A_62 : vector<16x32xf32> to vector<16x32xbf16>
    %dot_general3A_65 = arith.constant dense<0.000000e+00> : vector<1024x32xf32>
    %dot_general3A_66 = tpu.matmul %convert_element_type3A_63, %convert_element_type3A_64, %dot_general3A_65 {dimension_numbers = #tpu.dot_dimension_numbers<[1], [0], [0], [1], [0, 0, 1, 1], [], []>, transpose_lhs_hint = false} : vector<1024x16xbf16>, vector<16x32xbf16>, vector<1024x32xf32> -> vector<1024x32xf32>
    %get3A_67 = arith.constant 0 : index
    %get3A_68 = arith.constant 0 : index
    %get3A_69 = vector.load %arg10[%get3A_67, %get3A_68] : memref<1x32xf32, #tpu.memory_space<vmem>>, vector<1x32xf32>
    %add3A_70 = vector.broadcast %get3A_69 : vector<1x32xf32> to vector<1024x32xf32>
    %add3A_71 = arith.addf %dot_general3A_66, %add3A_70 : vector<1024x32xf32>
    %max3A_72 = arith.constant 0.000000e+00 : f32
    %max3A_73 = vector.broadcast %max3A_72 : f32 to vector<1024x32xf32>
    %max3A_74 = arith.maximumf %add3A_71, %max3A_73 : vector<1024x32xf32>
    %get3A_75 = arith.constant 0 : index
    %get3A_76 = arith.constant 0 : index
    %get3A_77 = vector.load %arg11[%get3A_75, %get3A_76] : memref<32x64xf32, #tpu.memory_space<vmem>>, vector<32x64xf32>
    %convert_element_type3A_78 = arith.truncf %max3A_74 : vector<1024x32xf32> to vector<1024x32xbf16>
    %convert_element_type3A_79 = arith.truncf %get3A_77 : vector<32x64xf32> to vector<32x64xbf16>
    %dot_general3A_80 = arith.constant dense<0.000000e+00> : vector<1024x64xf32>
    %dot_general3A_81 = tpu.matmul %convert_element_type3A_78, %convert_element_type3A_79, %dot_general3A_80 {dimension_numbers = #tpu.dot_dimension_numbers<[1], [0], [0], [1], [0, 0, 1, 1], [], []>, transpose_lhs_hint = false} : vector<1024x32xbf16>, vector<32x64xbf16>, vector<1024x64xf32> -> vector<1024x64xf32>
    %get3A_82 = arith.constant 0 : index
    %get3A_83 = arith.constant 0 : index
    %get3A_84 = vector.load %arg12[%get3A_82, %get3A_83] : memref<1x64xf32, #tpu.memory_space<vmem>>, vector<1x64xf32>
    %add3A_85 = vector.broadcast %get3A_84 : vector<1x64xf32> to vector<1024x64xf32>
    %add3A_86 = arith.addf %dot_general3A_81, %add3A_85 : vector<1024x64xf32>
    %max3A_87 = arith.constant 0.000000e+00 : f32
    %max3A_88 = vector.broadcast %max3A_87 : f32 to vector<1024x64xf32>
    %max3A_89 = arith.maximumf %add3A_86, %max3A_88 : vector<1024x64xf32>
    %get3A_90 = arith.constant 0 : index
    %get3A_91 = arith.constant 0 : index
    %get3A_92 = vector.load %arg13[%get3A_90, %get3A_91] : memref<64x128xf32, #tpu.memory_space<vmem>>, vector<64x128xf32>
    %convert_element_type3A_93 = arith.truncf %max3A_89 : vector<1024x64xf32> to vector<1024x64xbf16>
    %convert_element_type3A_94 = arith.truncf %get3A_92 : vector<64x128xf32> to vector<64x128xbf16>
    %dot_general3A_95 = arith.constant dense<0.000000e+00> : vector<1024x128xf32>
    %dot_general3A_96 = tpu.matmul %convert_element_type3A_93, %convert_element_type3A_94, %dot_general3A_95 {dimension_numbers = #tpu.dot_dimension_numbers<[1], [0], [0], [1], [0, 0, 1, 1], [], []>, transpose_lhs_hint = false} : vector<1024x64xbf16>, vector<64x128xbf16>, vector<1024x128xf32> -> vector<1024x128xf32>
    %get3A_97 = arith.constant 0 : index
    %get3A_98 = arith.constant 0 : index
    %get3A_99 = vector.load %arg14[%get3A_97, %get3A_98] : memref<1x128xf32, #tpu.memory_space<vmem>>, vector<1x128xf32>
    %add3A_100 = vector.broadcast %get3A_99 : vector<1x128xf32> to vector<1024x128xf32>
    %add3A_101 = arith.addf %dot_general3A_96, %add3A_100 : vector<1024x128xf32>
    %get3A_102 = arith.constant 0 : index
    %get3A_103 = arith.constant 0 : index
    %get3A_104 = vector.load %arg15[%get3A_102, %get3A_103] : memref<16x128xf32, #tpu.memory_space<vmem>>, vector<16x128xf32>
    %convert_element_type3A_105 = arith.truncf %get3A_1 : vector<1024x16xf32> to vector<1024x16xbf16>
    %convert_element_type3A_106 = arith.truncf %get3A_104 : vector<16x128xf32> to vector<16x128xbf16>
    %dot_general3A_107 = arith.constant dense<0.000000e+00> : vector<1024x128xf32>
    %dot_general3A_108 = tpu.matmul %convert_element_type3A_105, %convert_element_type3A_106, %dot_general3A_107 {dimension_numbers = #tpu.dot_dimension_numbers<[1], [0], [0], [1], [0, 0, 1, 1], [], []>, transpose_lhs_hint = false} : vector<1024x16xbf16>, vector<16x128xbf16>, vector<1024x128xf32> -> vector<1024x128xf32>
    %get3A_109 = arith.constant 0 : index
    %get3A_110 = arith.constant 0 : index
    %get3A_111 = vector.load %arg16[%get3A_109, %get3A_110] : memref<1x128xf32, #tpu.memory_space<vmem>>, vector<1x128xf32>
    %add3A_112 = vector.broadcast %get3A_111 : vector<1x128xf32> to vector<1024x128xf32>
    %add3A_113 = arith.addf %dot_general3A_108, %add3A_112 : vector<1024x128xf32>
    %add3A_114 = arith.addf %add3A_101, %add3A_113 : vector<1024x128xf32>
    %swap3A = arith.constant 0 : index
    %swap3A_115 = arith.constant 0 : index
    %swap3A_116 = vector.load %arg17[%swap3A, %swap3A_115] : memref<1024x128xf32, #tpu.memory_space<vmem>>, vector<1024x128xf32>
    tpu.vector_store %arg17[%swap3A, %swap3A_115], %add3A_114 {strides = array<i32>} : memref<1024x128xf32, #tpu.memory_space<vmem>>, vector<1024x128xf32>,
    return
  }
}

module attributes {stable_mosaic.version = 14 : i64} {
  func.func @_encode_block(%arg0: i32, %arg1: memref<1024x128xf32, #tpu.memory_space<vmem>>, %arg2: memref<128x128xf32, #tpu.memory_space<vmem>>, %arg3: memref<128x128xf32, #tpu.memory_space<vmem>>, %arg4: memref<128x64xf32, #tpu.memory_space<vmem>>, %arg5: memref<1x64xf32, #tpu.memory_space<vmem>>, %arg6: memref<64x32xf32, #tpu.memory_space<vmem>>, %arg7: memref<1x32xf32, #tpu.memory_space<vmem>>, %arg8: memref<32x16xf32, #tpu.memory_space<vmem>>, %arg9: memref<1x16xf32, #tpu.memory_space<vmem>>, %arg10: memref<16x64xf32, #tpu.memory_space<vmem>>, %arg11: memref<1x64xf32, #tpu.memory_space<vmem>>, %arg12: memref<64x16xf32, #tpu.memory_space<vmem>>, %arg13: memref<1x16xf32, #tpu.memory_space<vmem>>, %arg14: memref<16x64xf32, #tpu.memory_space<vmem>>, %arg15: memref<1x64xf32, #tpu.memory_space<vmem>>, %arg16: memref<64x16xf32, #tpu.memory_space<vmem>>, %arg17: memref<1x16xf32, #tpu.memory_space<vmem>>, %arg18: memref<128x16xf32, #tpu.memory_space<vmem>>, %arg19: memref<1x16xf32, #tpu.memory_space<vmem>>, %arg20: memref<16x1024xf32, #tpu.memory_space<vmem>>, %arg21: memref<1x1x1024xi32, #tpu.memory_space<vmem>>, %arg22: memref<1x1xf32, #tpu.memory_space<vmem>>) attributes {dimension_semantics = [#tpu.dimension_semantics<arbitrary>], iteration_bounds = array<i64: 16>, scalar_prefetch = 0 : i64, scratch_operands = 0 : i64, tpu.core_type = #tpu.core_type<tc>, window_params = [{transform_indices = @transform_0, window_bounds = array<i64: 1024, 128>}, {pipeline_mode = #tpu.pipeline_mode<synchronous>, transform_indices = @transform_1, window_bounds = array<i64: 128, 128>}, {pipeline_mode = #tpu.pipeline_mode<synchronous>, transform_indices = @transform_2, window_bounds = array<i64: 128, 128>}, {pipeline_mode = #tpu.pipeline_mode<synchronous>, transform_indices = @transform_3, window_bounds = array<i64: 128, 64>}, {pipeline_mode = #tpu.pipeline_mode<synchronous>, transform_indices = @transform_4, window_bounds = array<i64: 1, 64>}, {pipeline_mode = #tpu.pipeline_mode<synchronous>, transform_indices = @transform_5, window_bounds = array<i64: 64, 32>}, {pipeline_mode = #tpu.pipeline_mode<synchronous>, transform_indices = @transform_6, window_bounds = array<i64: 1, 32>}, {pipeline_mode = #tpu.pipeline_mode<synchronous>, transform_indices = @transform_7, window_bounds = array<i64: 32, 16>}, {pipeline_mode = #tpu.pipeline_mode<synchronous>, transform_indices = @transform_8, window_bounds = array<i64: 1, 16>}, {pipeline_mode = #tpu.pipeline_mode<synchronous>, transform_indices = @transform_9, window_bounds = array<i64: 16, 64>}, {pipeline_mode = #tpu.pipeline_mode<synchronous>, transform_indices = @transform_10, window_bounds = array<i64: 1, 64>}, {pipeline_mode = #tpu.pipeline_mode<synchronous>, transform_indices = @transform_11, window_bounds = array<i64: 64, 16>}, {pipeline_mode = #tpu.pipeline_mode<synchronous>, transform_indices = @transform_12, window_bounds = array<i64: 1, 16>}, {pipeline_mode = #tpu.pipeline_mode<synchronous>, transform_indices = @transform_13, window_bounds = array<i64: 16, 64>}, {pipeline_mode = #tpu.pipeline_mode<synchronous>, transform_indices = @transform_14, window_bounds = array<i64: 1, 64>}, {pipeline_mode = #tpu.pipeline_mode<synchronous>, transform_indices = @transform_15, window_bounds = array<i64: 64, 16>}, {pipeline_mode = #tpu.pipeline_mode<synchronous>, transform_indices = @transform_16, window_bounds = array<i64: 1, 16>}, {pipeline_mode = #tpu.pipeline_mode<synchronous>, transform_indices = @transform_17, window_bounds = array<i64: 128, 16>}, {pipeline_mode = #tpu.pipeline_mode<synchronous>, transform_indices = @transform_18, window_bounds = array<i64: 1, 16>}, {pipeline_mode = #tpu.pipeline_mode<synchronous>, transform_indices = @transform_19, window_bounds = array<i64: 16, 1024>}, {transform_indices = @transform_20, window_bounds = array<i64: 1, 1, 1024>}, {pipeline_mode = #tpu.pipeline_mode<synchronous>, transform_indices = @transform_21, window_bounds = array<i64: 1, 1>}]} {
    %get3A = arith.constant 0 : index
    %get3A_0 = arith.constant 0 : index
    %get3A_1 = vector.load %arg1[%get3A, %get3A_0] : memref<1024x128xf32, #tpu.memory_space<vmem>>, vector<1024x128xf32>
    %get3A_2 = arith.constant 0 : index
    %get3A_3 = arith.constant 0 : index
    %get3A_4 = vector.load %arg2[%get3A_2, %get3A_3] : memref<128x128xf32, #tpu.memory_space<vmem>>, vector<128x128xf32>
    %dot_general3A = arith.constant dense<0.000000e+00> : vector<1024x128xf32>
    %dot_general3A_5 = tpu.matmul %get3A_1, %get3A_4, %dot_general3A {dimension_numbers = #tpu.dot_dimension_numbers<[1], [0], [0], [1], [0, 0, 1, 1], [], []>, precision = #tpu.contract_precision<fp32>, transpose_lhs_hint = false} : vector<1024x128xf32>, vector<128x128xf32>, vector<1024x128xf32> -> vector<1024x128xf32>
    %get3A_6 = arith.constant 0 : index
    %get3A_7 = arith.constant 0 : index
    %get3A_8 = vector.load %arg3[%get3A_6, %get3A_7] : memref<128x128xf32, #tpu.memory_space<vmem>>, vector<128x128xf32>
    %dot_general3A_9 = arith.constant dense<0.000000e+00> : vector<1024x128xf32>
    %dot_general3A_10 = tpu.matmul %get3A_1, %get3A_8, %dot_general3A_9 {dimension_numbers = #tpu.dot_dimension_numbers<[1], [0], [0], [1], [0, 0, 1, 1], [], []>, precision = #tpu.contract_precision<fp32>, transpose_lhs_hint = false} : vector<1024x128xf32>, vector<128x128xf32>, vector<1024x128xf32> -> vector<1024x128xf32>
    %mul3A = arith.mulf %dot_general3A_5, %dot_general3A_5 : vector<1024x128xf32>
    %mul3A_11 = arith.mulf %dot_general3A_10, %dot_general3A_10 : vector<1024x128xf32>
    %add3A = arith.addf %mul3A, %mul3A_11 : vector<1024x128xf32>
    %sqrt3A = math.sqrt %add3A : vector<1024x128xf32>
    %get3A_12 = arith.constant 0 : index
    %get3A_13 = arith.constant 0 : index
    %get3A_14 = vector.load %arg4[%get3A_12, %get3A_13] : memref<128x64xf32, #tpu.memory_space<vmem>>, vector<128x64xf32>
    %convert_element_type3A = arith.truncf %sqrt3A : vector<1024x128xf32> to vector<1024x128xbf16>
    %convert_element_type3A_15 = arith.truncf %get3A_14 : vector<128x64xf32> to vector<128x64xbf16>
    %dot_general3A_16 = arith.constant dense<0.000000e+00> : vector<1024x64xf32>
    %dot_general3A_17 = tpu.matmul %convert_element_type3A, %convert_element_type3A_15, %dot_general3A_16 {dimension_numbers = #tpu.dot_dimension_numbers<[1], [0], [0], [1], [0, 0, 1, 1], [], []>, transpose_lhs_hint = false} : vector<1024x128xbf16>, vector<128x64xbf16>, vector<1024x64xf32> -> vector<1024x64xf32>
    %get3A_18 = arith.constant 0 : index
    %get3A_19 = arith.constant 0 : index
    %get3A_20 = vector.load %arg5[%get3A_18, %get3A_19] : memref<1x64xf32, #tpu.memory_space<vmem>>, vector<1x64xf32>
    %add3A_21 = vector.broadcast %get3A_20 : vector<1x64xf32> to vector<1024x64xf32>
    %add3A_22 = arith.addf %dot_general3A_17, %add3A_21 : vector<1024x64xf32>
    %max3A = arith.constant 0.000000e+00 : f32
    %max3A_23 = vector.broadcast %max3A : f32 to vector<1024x64xf32>
    %max3A_24 = arith.maximumf %add3A_22, %max3A_23 : vector<1024x64xf32>
    %get3A_25 = arith.constant 0 : index
    %get3A_26 = arith.constant 0 : index
    %get3A_27 = vector.load %arg6[%get3A_25, %get3A_26] : memref<64x32xf32, #tpu.memory_space<vmem>>, vector<64x32xf32>
    %convert_element_type3A_28 = arith.truncf %max3A_24 : vector<1024x64xf32> to vector<1024x64xbf16>
    %convert_element_type3A_29 = arith.truncf %get3A_27 : vector<64x32xf32> to vector<64x32xbf16>
    %dot_general3A_30 = arith.constant dense<0.000000e+00> : vector<1024x32xf32>
    %dot_general3A_31 = tpu.matmul %convert_element_type3A_28, %convert_element_type3A_29, %dot_general3A_30 {dimension_numbers = #tpu.dot_dimension_numbers<[1], [0], [0], [1], [0, 0, 1, 1], [], []>, transpose_lhs_hint = false} : vector<1024x64xbf16>, vector<64x32xbf16>, vector<1024x32xf32> -> vector<1024x32xf32>
    %get3A_32 = arith.constant 0 : index
    %get3A_33 = arith.constant 0 : index
    %get3A_34 = vector.load %arg7[%get3A_32, %get3A_33] : memref<1x32xf32, #tpu.memory_space<vmem>>, vector<1x32xf32>
    %add3A_35 = vector.broadcast %get3A_34 : vector<1x32xf32> to vector<1024x32xf32>
    %add3A_36 = arith.addf %dot_general3A_31, %add3A_35 : vector<1024x32xf32>
    %max3A_37 = arith.constant 0.000000e+00 : f32
    %max3A_38 = vector.broadcast %max3A_37 : f32 to vector<1024x32xf32>
    %max3A_39 = arith.maximumf %add3A_36, %max3A_38 : vector<1024x32xf32>
    %get3A_40 = arith.constant 0 : index
    %get3A_41 = arith.constant 0 : index
    %get3A_42 = vector.load %arg8[%get3A_40, %get3A_41] : memref<32x16xf32, #tpu.memory_space<vmem>>, vector<32x16xf32>
    %convert_element_type3A_43 = arith.truncf %max3A_39 : vector<1024x32xf32> to vector<1024x32xbf16>
    %convert_element_type3A_44 = arith.truncf %get3A_42 : vector<32x16xf32> to vector<32x16xbf16>
    %dot_general3A_45 = arith.constant dense<0.000000e+00> : vector<1024x16xf32>
    %dot_general3A_46 = tpu.matmul %convert_element_type3A_43, %convert_element_type3A_44, %dot_general3A_45 {dimension_numbers = #tpu.dot_dimension_numbers<[1], [0], [0], [1], [0, 0, 1, 1], [], []>, transpose_lhs_hint = false} : vector<1024x32xbf16>, vector<32x16xbf16>, vector<1024x16xf32> -> vector<1024x16xf32>
    %get3A_47 = arith.constant 0 : index
    %get3A_48 = arith.constant 0 : index
    %get3A_49 = vector.load %arg9[%get3A_47, %get3A_48] : memref<1x16xf32, #tpu.memory_space<vmem>>, vector<1x16xf32>
    %add3A_50 = vector.broadcast %get3A_49 : vector<1x16xf32> to vector<1024x16xf32>
    %add3A_51 = arith.addf %dot_general3A_46, %add3A_50 : vector<1024x16xf32>
    %max3A_52 = arith.constant 0.000000e+00 : f32
    %max3A_53 = vector.broadcast %max3A_52 : f32 to vector<1024x16xf32>
    %max3A_54 = arith.maximumf %add3A_51, %max3A_53 : vector<1024x16xf32>
    %get3A_55 = arith.constant 0 : index
    %get3A_56 = arith.constant 0 : index
    %get3A_57 = vector.load %arg10[%get3A_55, %get3A_56] : memref<16x64xf32, #tpu.memory_space<vmem>>, vector<16x64xf32>
    %convert_element_type3A_58 = arith.truncf %max3A_54 : vector<1024x16xf32> to vector<1024x16xbf16>
    %convert_element_type3A_59 = arith.truncf %get3A_57 : vector<16x64xf32> to vector<16x64xbf16>
    %dot_general3A_60 = arith.constant dense<0.000000e+00> : vector<1024x64xf32>
    %dot_general3A_61 = tpu.matmul %convert_element_type3A_58, %convert_element_type3A_59, %dot_general3A_60 {dimension_numbers = #tpu.dot_dimension_numbers<[1], [0], [0], [1], [0, 0, 1, 1], [], []>, transpose_lhs_hint = false} : vector<1024x16xbf16>, vector<16x64xbf16>, vector<1024x64xf32> -> vector<1024x64xf32>
    %get3A_62 = arith.constant 0 : index
    %get3A_63 = arith.constant 0 : index
    %get3A_64 = vector.load %arg11[%get3A_62, %get3A_63] : memref<1x64xf32, #tpu.memory_space<vmem>>, vector<1x64xf32>
    %add3A_65 = vector.broadcast %get3A_64 : vector<1x64xf32> to vector<1024x64xf32>
    %add3A_66 = arith.addf %dot_general3A_61, %add3A_65 : vector<1024x64xf32>
    %max3A_67 = arith.constant 0.000000e+00 : f32
    %max3A_68 = vector.broadcast %max3A_67 : f32 to vector<1024x64xf32>
    %max3A_69 = arith.maximumf %add3A_66, %max3A_68 : vector<1024x64xf32>
    %get3A_70 = arith.constant 0 : index
    %get3A_71 = arith.constant 0 : index
    %get3A_72 = vector.load %arg12[%get3A_70, %get3A_71] : memref<64x16xf32, #tpu.memory_space<vmem>>, vector<64x16xf32>
    %convert_element_type3A_73 = arith.truncf %max3A_69 : vector<1024x64xf32> to vector<1024x64xbf16>
    %convert_element_type3A_74 = arith.truncf %get3A_72 : vector<64x16xf32> to vector<64x16xbf16>
    %dot_general3A_75 = arith.constant dense<0.000000e+00> : vector<1024x16xf32>
    %dot_general3A_76 = tpu.matmul %convert_element_type3A_73, %convert_element_type3A_74, %dot_general3A_75 {dimension_numbers = #tpu.dot_dimension_numbers<[1], [0], [0], [1], [0, 0, 1, 1], [], []>, transpose_lhs_hint = false} : vector<1024x64xbf16>, vector<64x16xbf16>, vector<1024x16xf32> -> vector<1024x16xf32>
    %get3A_77 = arith.constant 0 : index
    %get3A_78 = arith.constant 0 : index
    %get3A_79 = vector.load %arg13[%get3A_77, %get3A_78] : memref<1x16xf32, #tpu.memory_space<vmem>>, vector<1x16xf32>
    %add3A_80 = vector.broadcast %get3A_79 : vector<1x16xf32> to vector<1024x16xf32>
    %add3A_81 = arith.addf %dot_general3A_76, %add3A_80 : vector<1024x16xf32>
    %add3A_82 = arith.addf %add3A_51, %add3A_81 : vector<1024x16xf32>
    %max3A_83 = arith.constant 0.000000e+00 : f32
    %max3A_84 = vector.broadcast %max3A_83 : f32 to vector<1024x16xf32>
    %max3A_85 = arith.maximumf %add3A_82, %max3A_84 : vector<1024x16xf32>
    %get3A_86 = arith.constant 0 : index
    %get3A_87 = arith.constant 0 : index
    %get3A_88 = vector.load %arg14[%get3A_86, %get3A_87] : memref<16x64xf32, #tpu.memory_space<vmem>>, vector<16x64xf32>
    %convert_element_type3A_89 = arith.truncf %max3A_85 : vector<1024x16xf32> to vector<1024x16xbf16>
    %convert_element_type3A_90 = arith.truncf %get3A_88 : vector<16x64xf32> to vector<16x64xbf16>
    %dot_general3A_91 = arith.constant dense<0.000000e+00> : vector<1024x64xf32>
    %dot_general3A_92 = tpu.matmul %convert_element_type3A_89, %convert_element_type3A_90, %dot_general3A_91 {dimension_numbers = #tpu.dot_dimension_numbers<[1], [0], [0], [1], [0, 0, 1, 1], [], []>, transpose_lhs_hint = false} : vector<1024x16xbf16>, vector<16x64xbf16>, vector<1024x64xf32> -> vector<1024x64xf32>
    %get3A_93 = arith.constant 0 : index
    %get3A_94 = arith.constant 0 : index
    %get3A_95 = vector.load %arg15[%get3A_93, %get3A_94] : memref<1x64xf32, #tpu.memory_space<vmem>>, vector<1x64xf32>
    %add3A_96 = vector.broadcast %get3A_95 : vector<1x64xf32> to vector<1024x64xf32>
    %add3A_97 = arith.addf %dot_general3A_92, %add3A_96 : vector<1024x64xf32>
    %max3A_98 = arith.constant 0.000000e+00 : f32
    %max3A_99 = vector.broadcast %max3A_98 : f32 to vector<1024x64xf32>
    %max3A_100 = arith.maximumf %add3A_97, %max3A_99 : vector<1024x64xf32>
    %get3A_101 = arith.constant 0 : index
    %get3A_102 = arith.constant 0 : index
    %get3A_103 = vector.load %arg16[%get3A_101, %get3A_102] : memref<64x16xf32, #tpu.memory_space<vmem>>, vector<64x16xf32>
    %convert_element_type3A_104 = arith.truncf %max3A_100 : vector<1024x64xf32> to vector<1024x64xbf16>
    %convert_element_type3A_105 = arith.truncf %get3A_103 : vector<64x16xf32> to vector<64x16xbf16>
    %dot_general3A_106 = arith.constant dense<0.000000e+00> : vector<1024x16xf32>
    %dot_general3A_107 = tpu.matmul %convert_element_type3A_104, %convert_element_type3A_105, %dot_general3A_106 {dimension_numbers = #tpu.dot_dimension_numbers<[1], [0], [0], [1], [0, 0, 1, 1], [], []>, transpose_lhs_hint = false} : vector<1024x64xbf16>, vector<64x16xbf16>, vector<1024x16xf32> -> vector<1024x16xf32>
    %get3A_108 = arith.constant 0 : index
    %get3A_109 = arith.constant 0 : index
    %get3A_110 = vector.load %arg17[%get3A_108, %get3A_109] : memref<1x16xf32, #tpu.memory_space<vmem>>, vector<1x16xf32>
    %add3A_111 = vector.broadcast %get3A_110 : vector<1x16xf32> to vector<1024x16xf32>
    %add3A_112 = arith.addf %dot_general3A_107, %add3A_111 : vector<1024x16xf32>
    %add3A_113 = arith.addf %add3A_82, %add3A_112 : vector<1024x16xf32>
    %max3A_114 = arith.constant 0.000000e+00 : f32
    %max3A_115 = vector.broadcast %max3A_114 : f32 to vector<1024x16xf32>
    %max3A_116 = arith.maximumf %add3A_113, %max3A_115 : vector<1024x16xf32>
    %get3A_117 = arith.constant 0 : index
    %get3A_118 = arith.constant 0 : index
    %get3A_119 = vector.load %arg18[%get3A_117, %get3A_118] : memref<128x16xf32, #tpu.memory_space<vmem>>, vector<128x16xf32>
    %convert_element_type3A_120 = arith.truncf %sqrt3A : vector<1024x128xf32> to vector<1024x128xbf16>
    %convert_element_type3A_121 = arith.truncf %get3A_119 : vector<128x16xf32> to vector<128x16xbf16>
    %dot_general3A_122 = arith.constant dense<0.000000e+00> : vector<1024x16xf32>
    %dot_general3A_123 = tpu.matmul %convert_element_type3A_120, %convert_element_type3A_121, %dot_general3A_122 {dimension_numbers = #tpu.dot_dimension_numbers<[1], [0], [0], [1], [0, 0, 1, 1], [], []>, transpose_lhs_hint = false} : vector<1024x128xbf16>, vector<128x16xbf16>, vector<1024x16xf32> -> vector<1024x16xf32>
    %get3A_124 = arith.constant 0 : index
    %get3A_125 = arith.constant 0 : index
    %get3A_126 = vector.load %arg19[%get3A_124, %get3A_125] : memref<1x16xf32, #tpu.memory_space<vmem>>, vector<1x16xf32>
    %add3A_127 = vector.broadcast %get3A_126 : vector<1x16xf32> to vector<1024x16xf32>
    %add3A_128 = arith.addf %dot_general3A_123, %add3A_127 : vector<1024x16xf32>
    %add3A_129 = arith.addf %max3A_116, %add3A_128 : vector<1024x16xf32>
    %mul3A_130 = arith.mulf %add3A_129, %add3A_129 : vector<1024x16xf32>
    %reduce_sum3A = arith.constant dense<0.000000e+00> : vector<1024xf32>
    %reduce_sum3A_131 = vector.multi_reduction <add>, %mul3A_130, %reduce_sum3A [1] : vector<1024x16xf32> to vector<1024xf32>
    %broadcast_in_dim3A = vector.shape_cast %reduce_sum3A_131 : vector<1024xf32> to vector<1024x1xf32>
    %sqrt3A_132 = math.sqrt %broadcast_in_dim3A : vector<1024x1xf32>
    %max3A_133 = arith.constant 9.99999996E-13 : f32
    %max3A_134 = vector.broadcast %max3A_133 : f32 to vector<1024x1xf32>
    %max3A_135 = arith.maximumf %sqrt3A_132, %max3A_134 : vector<1024x1xf32>
    %div3A = vector.broadcast %max3A_135 : vector<1024x1xf32> to vector<1024x16xf32>
    %div3A_136 = arith.divf %add3A_129, %div3A : vector<1024x16xf32>
    %get3A_137 = arith.constant 0 : index
    %get3A_138 = arith.constant 0 : index
    %get3A_139 = vector.load %arg20[%get3A_137, %get3A_138] : memref<16x1024xf32, #tpu.memory_space<vmem>>, vector<16x1024xf32>
    %mul3A_140 = arith.mulf %div3A_136, %div3A_136 : vector<1024x16xf32>
    %reduce_sum3A_141 = arith.constant dense<0.000000e+00> : vector<1024xf32>
    %reduce_sum3A_142 = vector.multi_reduction <add>, %mul3A_140, %reduce_sum3A_141 [1] : vector<1024x16xf32> to vector<1024xf32>
    %broadcast_in_dim3A_143 = vector.shape_cast %reduce_sum3A_142 : vector<1024xf32> to vector<1024x1xf32>
    %mul3A_144 = arith.mulf %get3A_139, %get3A_139 : vector<16x1024xf32>
    %reduce_sum3A_145 = arith.constant dense<0.000000e+00> : vector<1024xf32>
    %reduce_sum3A_146 = vector.multi_reduction <add>, %mul3A_144, %reduce_sum3A_145 [0] : vector<16x1024xf32> to vector<1024xf32>
    %broadcast_in_dim3A_147 = vector.shape_cast %reduce_sum3A_146 : vector<1024xf32> to vector<1x1024xf32>
    %add3A_148 = vector.broadcast %broadcast_in_dim3A_143 : vector<1024x1xf32> to vector<1024x1024xf32>
    %add3A_149 = vector.broadcast %broadcast_in_dim3A_147 : vector<1x1024xf32> to vector<1024x1024xf32>
    %add3A_150 = arith.addf %add3A_148, %add3A_149 : vector<1024x1024xf32>
    %convert_element_type3A_151 = arith.truncf %div3A_136 : vector<1024x16xf32> to vector<1024x16xbf16>
    %convert_element_type3A_152 = arith.truncf %get3A_139 : vector<16x1024xf32> to vector<16x1024xbf16>
    %dot_general3A_153 = arith.constant dense<0.000000e+00> : vector<1024x1024xf32>
    %dot_general3A_154 = tpu.matmul %convert_element_type3A_151, %convert_element_type3A_152, %dot_general3A_153 {dimension_numbers = #tpu.dot_dimension_numbers<[1], [0], [0], [1], [0, 0, 1, 1], [], []>, transpose_lhs_hint = false} : vector<1024x16xbf16>, vector<16x1024xbf16>, vector<1024x1024xf32> -> vector<1024x1024xf32>
    %mul3A_155 = arith.constant 2.000000e+00 : f32
    %mul3A_156 = vector.broadcast %mul3A_155 : f32 to vector<1024x1024xf32>
    %mul3A_157 = arith.mulf %mul3A_156, %dot_general3A_154 : vector<1024x1024xf32>
    %sub3A = arith.subf %add3A_150, %mul3A_157 : vector<1024x1024xf32>
    %reduce_min3A = arith.constant dense<0x7F800000> : vector<1024xf32>
    %reduce_min3A_158 = vector.multi_reduction <minimumf>, %sub3A, %reduce_min3A [1] : vector<1024x1024xf32> to vector<1024xf32>
    %iota3A = tpu.iota {dimensions = array<i32: 1>} : vector<1024x1024xi32>
    %broadcast_in_dim3A_159 = vector.shape_cast %reduce_min3A_158 : vector<1024xf32> to vector<1024x1xf32>
    %eq3A = vector.broadcast %broadcast_in_dim3A_159 : vector<1024x1xf32> to vector<1024x1024xf32>
    %eq3A_160 = arith.cmpf oeq, %sub3A, %eq3A : vector<1024x1024xf32>
    %jit3A = arith.constant 1073741824 : i32
    %broadcast_in_dim3A_161 = vector.broadcast %jit3A : i32 to vector<1024x1024xi32>
    %select_n3A = arith.select %eq3A_160, %iota3A, %broadcast_in_dim3A_161 : vector<1024x1024xi1>, vector<1024x1024xi32>
    %reduce_min3A_162 = arith.constant dense<2147483647> : vector<1024xi32>
    %reduce_min3A_163 = vector.multi_reduction <minsi>, %select_n3A, %reduce_min3A_162 [1] : vector<1024x1024xi32> to vector<1024xi32>
    %swap3A = arith.constant 0 : index
    %swap3A_164 = arith.constant 0 : index
    %swap3A_165 = arith.constant 0 : index
    %swap3A_166 = vector.load %arg21[%swap3A, %swap3A_164, %swap3A_165] : memref<1x1x1024xi32, #tpu.memory_space<vmem>>, vector<1x1x1024xi32>
    %swap3A_167 = vector.shape_cast %swap3A_166 : vector<1x1x1024xi32> to vector<1024xi32>
    %swap3A_168 = vector.shape_cast %reduce_min3A_163 : vector<1024xi32> to vector<1x1x1024xi32>
    tpu.vector_store %arg21[%swap3A, %swap3A_164, %swap3A_165], %swap3A_168 {strides = array<i32>} : memref<1x1x1024xi32, #tpu.memory_space<vmem>>, vector<1x1x1024xi32>,
    %broadcast_in_dim3A_169 = vector.shape_cast %reduce_sum3A_146 : vector<1024xf32> to vector<1x1024xf32>
    %add3A_170 = vector.broadcast %broadcast_in_dim3A_143 : vector<1024x1xf32> to vector<1024x1024xf32>
    %add3A_171 = vector.broadcast %broadcast_in_dim3A_169 : vector<1x1024xf32> to vector<1024x1024xf32>
    %add3A_172 = arith.addf %add3A_170, %add3A_171 : vector<1024x1024xf32>
    %dot_general3A_173 = arith.constant dense<0.000000e+00> : vector<1024x1024xf32>
    %dot_general3A_174 = tpu.matmul %div3A_136, %get3A_139, %dot_general3A_173 {dimension_numbers = #tpu.dot_dimension_numbers<[1], [0], [0], [1], [0, 0, 1, 1], [], []>, precision = #tpu.contract_precision<fp32>, transpose_lhs_hint = false} : vector<1024x16xf32>, vector<16x1024xf32>, vector<1024x1024xf32> -> vector<1024x1024xf32>
    %mul3A_175 = arith.constant 2.000000e+00 : f32
    %mul3A_176 = vector.broadcast %mul3A_175 : f32 to vector<1024x1024xf32>
    %mul3A_177 = arith.mulf %mul3A_176, %dot_general3A_174 : vector<1024x1024xf32>
    %sub3A_178 = arith.subf %add3A_172, %mul3A_177 : vector<1024x1024xf32>
    %broadcast_in_dim3A_179 = vector.shape_cast %reduce_min3A_163 : vector<1024xi32> to vector<1024x1xi32>
    %eq3A_180 = vector.broadcast %broadcast_in_dim3A_179 : vector<1024x1xi32> to vector<1024x1024xi32>
    %eq3A_181 = arith.cmpi eq, %iota3A, %eq3A_180 : vector<1024x1024xi32>
    %jit3A_182 = arith.constant 0.000000e+00 : f32
    %broadcast_in_dim3A_183 = vector.broadcast %jit3A_182 : f32 to vector<1024x1024xf32>
    %select_n3A_184 = arith.select %eq3A_181, %sub3A_178, %broadcast_in_dim3A_183 : vector<1024x1024xi1>, vector<1024x1024xf32>
    %reduce_sum3A_185 = arith.constant dense<0.000000e+00> : vector<1024xf32>
    %reduce_sum3A_186 = vector.multi_reduction <add>, %select_n3A_184, %reduce_sum3A_185 [1] : vector<1024x1024xf32> to vector<1024xf32>
    %eq3A_187 = arith.constant 0 : i32
    %eq3A_188 = arith.cmpi eq, %arg0, %eq3A_187 : i32
    %broadcast_in_dim3A_189 = arith.constant 0.000000e+00 : f32
    %broadcast_in_dim3A_190 = vector.broadcast %broadcast_in_dim3A_189 : f32 to vector<1x1xf32>
    %get3A_191 = arith.constant 0 : index
    %get3A_192 = arith.constant 0 : index
    %get3A_193 = vector.load %arg22[%get3A_191, %get3A_192] : memref<1x1xf32, #tpu.memory_space<vmem>>, vector<1x1xf32>
    %select_n3A_194 = arith.select %eq3A_188, %broadcast_in_dim3A_190, %get3A_193 : vector<1x1xf32>
    %reduce_sum3A_195 = vector.shape_cast %reduce_sum3A_186 : vector<1024xf32> to vector<1x1024xf32>
    %reduce_sum3A_196 = arith.constant dense<0.000000e+00> : vector<1xf32>
    %reduce_sum3A_197 = vector.multi_reduction <add>, %reduce_sum3A_195, %reduce_sum3A_196 [1] : vector<1x1024xf32> to vector<1xf32>
    %reduce_sum3A_198 = vector.shape_cast %reduce_sum3A_197 : vector<1xf32> to vector<1x1xf32>
    %reduce_sum3A_199 = vector.extract %reduce_sum3A_198[0, 0] : f32 from vector<1x1xf32>
    %add3A_200 = vector.broadcast %reduce_sum3A_199 : f32 to vector<1x1xf32>
    %add3A_201 = arith.addf %select_n3A_194, %add3A_200 : vector<1x1xf32>
    %swap3A_202 = arith.constant 0 : index
    %swap3A_203 = arith.constant 0 : index
    %swap3A_204 = vector.load %arg22[%swap3A_202, %swap3A_203] : memref<1x1xf32, #tpu.memory_space<vmem>>, vector<1x1xf32>
    tpu.vector_store %arg22[%swap3A_202, %swap3A_203], %add3A_201 {strides = array<i32>} : memref<1x1xf32, #tpu.memory_space<vmem>>, vector<1x1xf32>,
    return
  }
  func.func @transform_0(%arg0: i32) -> (i32, i32) {
    %c0_i32 = arith.constant 0 : i32
    %c0_i32_0 = arith.constant 0 : i32
    return %arg0, %c0_i32 : i32, i32
  }
  func.func @transform_1(%arg0: i32) -> (i32, i32) {
    %c0_i32 = arith.constant 0 : i32
    %c0_i32_0 = arith.constant 0 : i32
    %c0_i32_1 = arith.constant 0 : i32
    return %c0_i32, %c0_i32_0 : i32, i32
  }
  func.func @transform_2(%arg0: i32) -> (i32, i32) {
    %c0_i32 = arith.constant 0 : i32
    %c0_i32_0 = arith.constant 0 : i32
    %c0_i32_1 = arith.constant 0 : i32
    return %c0_i32, %c0_i32_0 : i32, i32
  }
  func.func @transform_3(%arg0: i32) -> (i32, i32) {
    %c0_i32 = arith.constant 0 : i32
    %c0_i32_0 = arith.constant 0 : i32
    %c0_i32_1 = arith.constant 0 : i32
    return %c0_i32, %c0_i32_0 : i32, i32
  }
  func.func @transform_4(%arg0: i32) -> (i32, i32) {
    %c0_i32 = arith.constant 0 : i32
    %c0_i32_0 = arith.constant 0 : i32
    %c0_i32_1 = arith.constant 0 : i32
    return %c0_i32, %c0_i32_0 : i32, i32
  }
  func.func @transform_5(%arg0: i32) -> (i32, i32) {
    %c0_i32 = arith.constant 0 : i32
    %c0_i32_0 = arith.constant 0 : i32
    %c0_i32_1 = arith.constant 0 : i32
    return %c0_i32, %c0_i32_0 : i32, i32
  }
  func.func @transform_6(%arg0: i32) -> (i32, i32) {
    %c0_i32 = arith.constant 0 : i32
    %c0_i32_0 = arith.constant 0 : i32
    %c0_i32_1 = arith.constant 0 : i32
    return %c0_i32, %c0_i32_0 : i32, i32
  }
  func.func @transform_7(%arg0: i32) -> (i32, i32) {
    %c0_i32 = arith.constant 0 : i32
    %c0_i32_0 = arith.constant 0 : i32
    %c0_i32_1 = arith.constant 0 : i32
    return %c0_i32, %c0_i32_0 : i32, i32
  }
  func.func @transform_8(%arg0: i32) -> (i32, i32) {
    %c0_i32 = arith.constant 0 : i32
    %c0_i32_0 = arith.constant 0 : i32
    %c0_i32_1 = arith.constant 0 : i32
    return %c0_i32, %c0_i32_0 : i32, i32
  }
  func.func @transform_9(%arg0: i32) -> (i32, i32) {
    %c0_i32 = arith.constant 0 : i32
    %c0_i32_0 = arith.constant 0 : i32
    %c0_i32_1 = arith.constant 0 : i32
    return %c0_i32, %c0_i32_0 : i32, i32
  }
  func.func @transform_10(%arg0: i32) -> (i32, i32) {
    %c0_i32 = arith.constant 0 : i32
    %c0_i32_0 = arith.constant 0 : i32
    %c0_i32_1 = arith.constant 0 : i32
    return %c0_i32, %c0_i32_0 : i32, i32
  }
  func.func @transform_11(%arg0: i32) -> (i32, i32) {
    %c0_i32 = arith.constant 0 : i32
    %c0_i32_0 = arith.constant 0 : i32
    %c0_i32_1 = arith.constant 0 : i32
    return %c0_i32, %c0_i32_0 : i32, i32
  }
  func.func @transform_12(%arg0: i32) -> (i32, i32) {
    %c0_i32 = arith.constant 0 : i32
    %c0_i32_0 = arith.constant 0 : i32
    %c0_i32_1 = arith.constant 0 : i32
    return %c0_i32, %c0_i32_0 : i32, i32
  }
  func.func @transform_13(%arg0: i32) -> (i32, i32) {
    %c0_i32 = arith.constant 0 : i32
    %c0_i32_0 = arith.constant 0 : i32
    %c0_i32_1 = arith.constant 0 : i32
    return %c0_i32, %c0_i32_0 : i32, i32
  }
  func.func @transform_14(%arg0: i32) -> (i32, i32) {
    %c0_i32 = arith.constant 0 : i32
    %c0_i32_0 = arith.constant 0 : i32
    %c0_i32_1 = arith.constant 0 : i32
    return %c0_i32, %c0_i32_0 : i32, i32
  }
  func.func @transform_15(%arg0: i32) -> (i32, i32) {
    %c0_i32 = arith.constant 0 : i32
    %c0_i32_0 = arith.constant 0 : i32
    %c0_i32_1 = arith.constant 0 : i32
    return %c0_i32, %c0_i32_0 : i32, i32
  }
  func.func @transform_16(%arg0: i32) -> (i32, i32) {
    %c0_i32 = arith.constant 0 : i32
    %c0_i32_0 = arith.constant 0 : i32
    %c0_i32_1 = arith.constant 0 : i32
    return %c0_i32, %c0_i32_0 : i32, i32
  }
  func.func @transform_17(%arg0: i32) -> (i32, i32) {
    %c0_i32 = arith.constant 0 : i32
    %c0_i32_0 = arith.constant 0 : i32
    %c0_i32_1 = arith.constant 0 : i32
    return %c0_i32, %c0_i32_0 : i32, i32
  }
  func.func @transform_18(%arg0: i32) -> (i32, i32) {
    %c0_i32 = arith.constant 0 : i32
    %c0_i32_0 = arith.constant 0 : i32
    %c0_i32_1 = arith.constant 0 : i32
    return %c0_i32, %c0_i32_0 : i32, i32
  }
  func.func @transform_19(%arg0: i32) -> (i32, i32) {
    %c0_i32 = arith.constant 0 : i32
    %c0_i32_0 = arith.constant 0 : i32
    %c0_i32_1 = arith.constant 0 : i32
    return %c0_i32, %c0_i32_0 : i32, i32
  }
  func.func @transform_20(%arg0: i32) -> (i32, i32, i32) {
    %c0_i32 = arith.constant 0 : i32
    %c0_i32_0 = arith.constant 0 : i32
    %c0_i32_1 = arith.constant 0 : i32
    return %arg0, %c0_i32, %c0_i32_0 : i32, i32, i32
  }
  func.func @transform_21(%arg0: i32) -> (i32, i32) {
    %c0_i32 = arith.constant 0 : i32
    %c0_i32_0 = arith.constant 0 : i32
    %c0_i32_1 = arith.constant 0 : i32
    return %c0_i32, %c0_i32_0 : i32, i32
  }
}

</mosaic_0001>

<sc_bundles>
// kernel: kernel.5.cloned.1.call-start
scs
__scs_entry_jumppad:
0x0: {  	(pc) =	sbr.rel $0x88, $3  }
0x1: {  	(tag) =	ssettag $0x0;
	lr =	simm.s32 $0x1  }
0x2: {  	[smem:$0x3F7F] =	sst lr;
	_ =	strace $0xD0000000  }
0x3: {  	_ = 	snop  }
0x4: {  	_ = 	snop  }
0x5: {  	_ = 	snop  }
0x6: {  	_ = 	snop  }
0x7: {  	_ = 	snop  }
__scs_overlays_trampoline_lowered:
0x8: {  	[smem:$0x3F8E] =	sst s0  }
0x9: {  	[smem:$0x3F8F] =	sst s1  }
0xa: {  	[smem:$0x3F90] =	sst s2  }
0xb: {  	[smem:$0x3F91] =	sst s3  }
0xc: {  	[smem:$0x3F92] =	sst s4  }
0xd: {  	[smem:$0x3F93] =	sst s5  }
0xe: {  	[smem:$0x3F94] =	sst s6  }
0xf: {  	[smem:$0x3F95] =	sst s7  }
0x10: {  	[smem:$0x3F96] =	sst s8  }
0x11: {  	[smem:$0x3F97] =	sst s9;
	s0 =	simm.s32 @!p0 $0x0  }
0x12: {  	s1 =	sld [smem:$0x3F7D];
	s0 =	simm.s32 @p0 $0x1  }
0x13: {  	[smem:$0x3F98] =	sst s0;
	s0 =	simm.s32 @!p1 $0x0  }
0x14: {  	s2 =	sld [smem:$0x3F7C];
	s0 =	simm.s32 @p1 $0x1  }
0x15: {  	[smem:$0x3F99] =	sst s0;
	s0 =	simm.s32 @!p2 $0x0  }
0x16: {  	s3 =	sld [smem:$0x3FDB];
	s0 =	simm.s32 @p2 $0x1  }
0x17: {  	s4 =	simm.s32 $0x1BF5;
	[smem:$0x3F9B] =	sst s0  }
0x18: {  	s0 =	sld [smem:$0x3F7E];
	_ =	swait.ge [sflag:s4], $0x0  }
0x19: {  	s7 =	sld [smem:$0x3F7F]  }
0x1a: {  	s8 =	sadd.s32 $0xFFFFE003, lr  }
0x1b: {  	s9 =	sadd.s32 $0xFFFFFEF7, lr;
	s5 =	simm.s32 $0xFFFFFFFF;
	p2 =	slt.u32 s8, $0xFFFFF086  }
0x1c: {  	p1 =	slt.u32 s9, $0xF7A;
	s5 =	simm.s32 @!p2 $0x0  }
0x1d: {  	s5 =	simm.s32 @p1 $0x1;
	p0 =	seq.s32 s7, s2  }
0x1e: {  	s7 =	smul.u32 @!p0 $0xF7A, s2;
	p2 =	seq.s32 @!p0 s5, $0x0  }
0x1f: {  	s9 =	smul.u32 $0xF7A, s1;
	s8 =	simm.s32 @!p0 $0x1BF5;
	p2 =	por !p2, p0  }
0x20: {  	[sflag:s8] =	ssyncset.s32 @!p0 $0xFFFFF086;
	s6 =	sadd.s32 @!p0 s3, s7;
	s7 =	simm.s32 @!p0 $0x108  }
0x21: {  	s3 =	sadd.s32 s3, s9;
	s6 =	sadd.s32 @!p0 $0x88, s6;
	s7 =	simm.s32 @p2 $0x1082  }
0x22: {  	[simem:s7], [sflag:s8] =	dma.local @!p0 [hbm:s6], $0xF7A  }
0x23: {  	s9 =	sor.u32 $0xD0000000, s2;
	s6 =	simm.s32 $0x108;
	_ =	swait.ge @!p0 [sflag:s8], $0x0  }
0x24: {  	s3 =	sadd.s32 $0x88, s3;
	s6 =	simm.s32 @!p1 $0x1082;
	[sflag:s4] =	ssyncset.s32 $0xFFFFF086  }
0x25: {  	[simem:s6], [sflag:s4] =	dma.local [hbm:s3], $0xF7A  }
0x26: {  	[smem:$0x3F7F] =	sst s1;
	(tag) =	ssettag s2;
	_ =	strace s9  }
0x27: {  	s1 =	sld [smem:$0x3F8F]  }
0x28: {  	s2 =	sld [smem:$0x3F90]  }
0x29: {  	s4 =	sld [smem:$0x3F92]  }
0x2a: {  	p0 =	seq.s32 s5, $0x0;
	s5 =	sld [smem:$0x3F93]  }
0x2b: {  	s6 =	sld [smem:$0x3F94]  }
0x2c: {  	s7 =	sld [smem:$0x3F95]  }
0x2d: {  	s3 =	simm.s32 $0x108;
	s8 =	sld [smem:$0x3F96]  }
0x2e: {  	s3 =	simm.s32 @!p0 $0x1082;
	s9 =	sld [smem:$0x3F97]  }
0x2f: {  	lr =	sadd.s32 s0, s3;
	s0 =	sld [smem:$0x3F8E]  }
0x30: {  	s3 =	sld [smem:$0x3F91]  }
0x31: {  	[smem:$0x3F9A] =	sst s10  }
0x32: {  	s10 =	sld [smem:$0x3F98];
	_ =	sdelay $0x3  }
0x33: {  	p0 =	seq.s32 s10, $0x1;
	s10 =	sld [smem:$0x3F9A];
	_ =	sdelay $0x3  }
0x34: {  	[smem:$0x3F9A] =	sst s10  }
0x35: {  	s10 =	sld [smem:$0x3F99];
	_ =	sdelay $0x3  }
0x36: {  	p1 =	seq.s32 s10, $0x1;
	s10 =	sld [smem:$0x3F9A];
	_ =	sdelay $0x3  }
0x37: {  	[smem:$0x3F9A] =	sst s10  }
0x38: {  	s10 =	sld [smem:$0x3F9B]  }
0x39: {  	_ = 	snop;
	(pc) =	sbr.ind lr, $3  }
0x3a: {  	_ = 	snop  }
0x3b: {  	_ = 	snop  }
0x3c: {  	p2 =	seq.s32 s10, $0x1;
	s10 =	sld [smem:$0x3F9A]  }
0x3d: {  	_ =	shalt  }
0x3e: {  	_ =	shalt  }
0x3f: {  	_ =	shalt  }
0x40: {  	_ =	shalt  }
0x41: {  	_ =	shalt  }
0x42: {  	_ =	shalt  }
0x43: {  	_ =	shalt  }
0x44: {  	_ =	shalt  }
0x45: {  	_ =	shalt  }
0x46: {  	_ =	shalt  }
0x47: {  	_ =	shalt  }
0x48: {  	_ =	shalt  }
0x49: {  	_ =	shalt  }
0x4a: {  	_ =	shalt  }
0x4b: {  	_ =	shalt  }
0x4c: {  	_ =	shalt  }
0x4d: {  	_ =	shalt  }
0x4e: {  	_ =	shalt  }
0x4f: {  	_ =	shalt  }
0x50: {  	_ =	shalt  }
0x51: {  	_ =	shalt  }
0x52: {  	_ =	shalt  }
0x53: {  	_ =	shalt  }
0x54: {  	_ =	shalt  }
0x55: {  	_ =	shalt  }
0x56: {  	_ =	shalt  }
0x57: {  	_ =	shalt  }
0x58: {  	_ =	shalt  }
0x59: {  	_ =	shalt  }
0x5a: {  	_ =	shalt  }
0x5b: {  	_ =	shalt  }
0x5c: {  	_ =	shalt  }
0x5d: {  	_ =	shalt  }
0x5e: {  	_ =	shalt  }
0x5f: {  	_ =	shalt  }
0x60: {  	_ =	shalt  }
0x61: {  	_ =	shalt  }
0x62: {  	_ =	shalt  }
0x63: {  	_ =	shalt  }
0x64: {  	_ =	shalt  }
0x65: {  	_ =	shalt  }
0x66: {  	_ =	shalt  }
0x67: {  	_ =	shalt  }
0x68: {  	_ =	shalt  }
0x69: {  	_ =	shalt  }
0x6a: {  	_ =	shalt  }
0x6b: {  	_ =	shalt  }
0x6c: {  	_ =	shalt  }
0x6d: {  	_ =	shalt  }
0x6e: {  	_ =	shalt  }
0x6f: {  	_ =	shalt  }
0x70: {  	_ =	shalt  }
0x71: {  	_ =	shalt  }
0x72: {  	_ =	shalt  }
0x73: {  	_ =	shalt  }
0x74: {  	_ =	shalt  }
0x75: {  	_ =	shalt  }
0x76: {  	_ =	shalt  }
0x77: {  	_ =	shalt  }
0x78: {  	_ =	shalt  }
0x79: {  	_ =	shalt  }
0x7a: {  	_ =	shalt  }
0x7b: {  	_ =	shalt  }
0x7c: {  	_ =	shalt  }
0x7d: {  	_ =	shalt  }
0x7e: {  	_ =	shalt  }
0x7f: {  	_ =	shalt  }
0x80: {  	_ =	shalt  }
0x81: {  	_ =	shalt  }
0x82: {  	_ =	shalt  }
0x83: {  	_ =	shalt  }
0x84: {  	_ =	shalt  }
0x85: {  	_ =	shalt  }
0x86: {  	_ =	shalt  }
0x87: {  	_ =	shalt  }
.Lfunc_end0:
.L_simem_size_0:
called_computation_lowered:
.L_overlay_start_0:
0x88: {  	s2 =	sld [smem:$0x3FD9]  }
0x89: {  	s3 =	sld [smem:$0x3FFE];
	_ =	sdelay $0x1  }
0x8a: {  	s1 =	srdreg.scid  }
0x8b: {  	s0 =	sand.u32 $0x1, s1  }
0x8c: {  	s14 =	sshll.u32 s0, $0xA;
	s2 =	sadd.s32 s3, s2  }
0x8d: {  	s2 =	sadd.s32 s2, s14  }
0x8e: {  	[smem:$0x3FA6] =	sst s2  }
0x8f: {  	_ = 	snop  }
0x90: {  	s2 =	sld [smem:$0x3FD0];
	_ =	sdelay $0x2  }
0x91: {  	s15 =	simm.s32 $0xA;
	s4 =	simm.s32 $0x10  }
0x92: {  	[smem:s4], [sflag:s15] =	dma.local [hbm:s2], $0x1  }
0x93: {  	_ =	swait.eq [sflag:s15], $0x1  }
0x94: {  	[sflag:s15] =	ssyncset.done $0x0  }
0x95: {  	s16 =	sld [smem:$0x10];
	[sflag:s15] =	ssyncadd.s32 $0xFFFFFFFF  }
0x96: {  	s17 =	sld [smem:$0x12];
	(tm) =	ssettm $0x1  }
0x97: {  	s18 =	sld [smem:$0x3FFB];
	_ =	sdelay $0x3  }
0x98: {  	_ =	strace s18  }
0x99: {  	s4 =	sld [smem:$0x3FFC];
	_ =	sdelay $0x3  }
0x9a: {  	_ =	strace s4  }
0x9b: {  	s4 =	sld [smem:$0x3FFD];
	_ =	sdelay $0x3  }
0x9c: {  	_ =	strace s4  }
0x9d: {  	_ =	strace $0x8FFFFFFF  }
0x9e: {  	s19 =	sld [smem:$0x3FDB];
	_ =	sdelay $0x1  }
0x9f: {  	s5 =	simm.s32 $_scs_section_size  }
0xa0: {  	s6 =	simm.s32 $_size__tile_overlayer_lowered;
	s7 =	simm.s32 $_tile_overlayer_lowered  }
0xa1: {  	s22 =	simm.s32 $0x1BFF;
	s21 =	sshll.u32 s7, $0x1;
	s4 =	sadd.s32 s5, s19  }
0xa2: {  	s8 =	simm.s32 $0x0;
	s20 =	sshll.u32 s6, $0x1;
	s6 =	sadd.s32 s21, s4  }
0xa3: {  	[timem:s8], [sflag:s22] =	dma.local [hbm:s6], s20  }
0xa4: {  	_ =	swait.ge [sflag:s22], s20  }
0xa5: {  	s5 =	ssub.s32 $0x0, s20;
	[sflag:s22] =	ssyncset.done $0x0  }
0xa6: {  	[sflag:s22] =	ssyncadd.s32 s5;
	_ =	sdelay $0x1  }
0xa7: {  	s23 =	simm.s32 $0x1B8B  }
0xa8: {  	_ =	swait.ge [sflag:s23], $0x1  }
0xa9: {  	[sflag:s23] =	ssyncset.done $0x0  }
0xaa: {  	s25 =	simm.s32 $0x1B8E;
	s24 =	sld [smem:$0x3FFE];
	[sflag:s23] =	ssyncadd.s32 $0xFFFFFFFF  }
0xab: {  	s26 =	simm.s32 $execute0_lowered;
	[smem:$0x3FD2] =	sst s25  }
0xac: {  	s6 =	sshll.u32 s26, $0x1;
	_ =	strace $0x80000046;
	[dreg:$0x1] =	wrdreg $0xFFFFFFFF  }
0xad: {  	s28 =	simm.s32 $_size_execute0_lowered;
	s4 =	sadd.s32 s4, s6;
	[dreg:$0x0] =	wrdreg $0x0  }
0xae: {  	s6 =	sshll.u32 s28, $0x1;
	[dreg:$0x2] =	wrdreg s4  }
0xaf: {  	[dreg:$0x3] =	wrdreg s6  }
0xb0: {  	[dreg:$0x4] =	wrdreg $0xC0  }
0xb1: {  	_ =	task [dreg:s8], $0x5FFFF  }
0xb2: {  	[dreg:$0x1] =	wrdreg $0xFFFFFFFF  }
0xb3: {  	[dreg:$0x0] =	wrdreg $0x60  }
0xb4: {  	[dreg:$0x2] =	wrdreg s24  }
0xb5: {  	[dreg:$0x3] =	wrdreg s17  }
0xb6: {  	[dreg:$0x4] =	wrdreg s16  }
0xb7: {  	[dreg:$0x5] =	wrdreg $0x9  }
0xb8: {  	_ =	task.clear_ibuf [dreg:s8], $0x6FFFF;
	_ =	strace $0x90000046  }
0xb9: {  	s29 =	simm.s32 $0x9;
	_ =	strace $0x8000004F  }
0xba: {  	_ =	swait.ge [sflag:s29], $0x1  }
0xbb: {  	[sflag:s29] =	ssyncadd.s32 $0xFFFFFFFF  }
0xbc: {  	_ =	strace $0x9000004F  }
0xbd: {  	_ =	sfence  }
0xbe: {  	s30 =	sld [smem:$0x0];
	_ =	sdelay $0x2  }
0xbf: {  	s31 =	sshll.u32 s1, $0xD;
	s1 =	sshrl.u32 s1, $0x2  }
0xc0: {  	s3 =	sand.u32 $0x4000, s31;
	s1 =	sadd.s32 s1, s30  }
0xc1: {  	s0 =	sor.u32 s3, s0;
	s1 =	sshll.u32 s1, $0x11  }
0xc2: {  	s0 =	sor.u32 s1, s0  }
0xc3: {  	s0 =	sadd.s32 $0x8F2B, s0  }
0xc4: {  	[sflag:s0] =	ssyncadd.remote.s32 $0x1  }
0xc5: {  	_ =	sfence.sel $0xFFFF  }
0xc6: {  	[dreg:$0x0] =	wrdreg $0xFFFFFFFF;
	(pc) =	sbr.abs _section_cstart, $3  }
0xc7: {  	[dreg:$0x1] =	wrdreg $0xFFFFFFFF  }
0xc8: {  	_ =	task.clear_ibuf [dreg:s8], $0x2FFFF;
	_ =	strace $0x9FFFFFFF  }
0xc9: {  	(tm) =	ssettm $0x7FFFFFFF  }
tec
execute0_lowered:
.L_overlay_start_1:
0x0: {  	(tag) =	ssettag $0x1  }
0x1: {  	s7 =	rddreg [dreg:$0x0]  }
0x2: {  	s3 =	rddreg [dreg:$0x1];
	s1 =	srdreg.scid  }
0x3: {  	s10 =	rddreg [dreg:$0x2];
	s20 =	sand.u32 $0x1, s1  }
0x4: {  	s2 =	simm.s32 $0x0;
	s1 =	stileid.u32;
	s4 =	sshll.u32 s20, $0x4  }
0x5: {  	[smem:$0x7FF] =	sst s2;
	s11 =	sor.u32 s1, s4  }
0x6: {  	s0 =	rddreg [dreg:$0x3];
	_ =	strace $0x80000047;
	s4 =	sshll.u32 s11, $0x6  }
0x7: {  	_ =	strace $0x80000048;
	s3 =	sadd.s32 s3, s4  }
0x8: {  	[tilespmem:s2], [sflag:$0x1] =	stream.linear.gather [hbm4b:s3+s2], $0x80, $0x200038;
	[tilespmem:$0x8100] =	vst v63  }
0x9: {  	_ =	strace $0x90000048  }
0xa: {  	s5 =	simm.s32 $0x80;
	s4 =	sadd.s32 $0x10, s3;
	_ =	strace $0x80000049  }
0xb: {  	[tilespmem:s5], [sflag:$0x2] =	stream.linear.gather [hbm4b:s4+s2], $0x80, $0x200038;
	[tilespmem:$0x8100] =	vst v63  }
0xc: {  	_ =	strace $0x90000049  }
0xd: {  	s6 =	simm.s32 $0x1;
	_ =	strace $0x8000004A  }
0xe: {  	_ =	swait.ge [sflag:s6], $0x80  }
0xf: {  	[sflag:s6] =	ssyncset.done $0x0  }
0x10: {  	[sflag:s6] =	ssyncadd.s32 $0xFFFFFF80  }
0x11: {  	s8 =	simm.s32 $0x100;
	_ =	strace $0x9000004A  }
0x12: {  	s9 =	simm.s32 $0x5;
	s7 =	sadd.s32 $0x4E00, s7;
	_ =	strace $0x8000004B  }
0x13: {  	[tilespmem:s8], [sflag:$0x5] =	stream.indirect.gather [hbm4b:s7+s5], $0x80, s2, s5, $0x2000b8;
	[tilespmem:$0x8100] =	vst v63  }
0x14: {  	_ =	swait.ge [sflag:s9], $0x4000  }
0x15: {  	[sflag:s9] =	ssyncset.done $0x0  }
0x16: {  	[sflag:s9] =	ssyncadd.s32 $0xFFFFC000  }
0x17: {  	s11 =	sshll.u32 s11, $0xD;
	_ =	strace $0x9000004B  }
0x18: {  	s10 =	sadd.s32 s10, s11;
	_ =	strace $0x8000004C  }
0x19: {  	[hbm4b:s10+s2] =	stream.linear.scatter [tilespmem:s8], [sflag:$0x3], $0x4000, $0x200038;
	[tilespmem:$0x8100] =	vst v63  }
0x1a: {  	_ =	strace $0x9000004C  }
0x1b: {  	s11 =	sadd.s32 $0x20, s3;
	_ =	strace $0x80000049  }
0x1c: {  	[tilespmem:s2], [sflag:$0x1] =	stream.linear.gather [hbm4b:s11+s2], $0x80, $0x200038;
	[tilespmem:$0x8100] =	vst v63  }
0x1d: {  	_ =	strace $0x90000049  }
0x1e: {  	s12 =	simm.s32 $0x2;
	_ =	strace $0x8000004A  }
0x1f: {  	_ =	swait.ge [sflag:s12], $0x80  }
0x20: {  	[sflag:s12] =	ssyncset.done $0x0  }
0x21: {  	[sflag:s12] =	ssyncadd.s32 $0xFFFFFF80  }
0x22: {  	_ =	strace $0x9000004A  }
0x23: {  	s13 =	simm.s32 $0x4100;
	_ =	strace $0x8000004B  }
0x24: {  	[tilespmem:s13], [sflag:$0x5] =	stream.indirect.gather [hbm4b:s7+s5], $0x80, s5, s5, $0x2000b8;
	[tilespmem:$0x8100] =	vst v63  }
0x25: {  	_ =	swait.ge [sflag:s9], $0x4000  }
0x26: {  	[sflag:s9] =	ssyncset.done $0x0  }
0x27: {  	[sflag:s9] =	ssyncadd.s32 $0xFFFFC000  }
0x28: {  	_ =	strace $0x9000004B  }
0x29: {  	s14 =	sadd.s32 $0x800, s10;
	_ =	strace $0x8000004C  }
0x2a: {  	[hbm4b:s14+s2] =	stream.linear.scatter [tilespmem:s13], [sflag:$0x4], $0x4000, $0x200038;
	[tilespmem:$0x8100] =	vst v63  }
0x2b: {  	_ =	strace $0x9000004C  }
0x2c: {  	s15 =	simm.s32 $0x3;
	_ =	strace $0x8000004D  }
0x2d: {  	_ =	swait.ge [sflag:s15], $0x4000  }
0x2e: {  	[sflag:s15] =	ssyncset.done $0x0  }
0x2f: {  	[sflag:s15] =	ssyncadd.s32 $0xFFFFC000  }
0x30: {  	_ =	strace $0x9000004D  }
0x31: {  	s16 =	sadd.s32 $0x30, s3;
	_ =	strace $0x80000049  }
0x32: {  	[tilespmem:s5], [sflag:$0x2] =	stream.linear.gather [hbm4b:s16+s2], $0x80, $0x200038;
	[tilespmem:$0x8100] =	vst v63  }
0x33: {  	_ =	strace $0x90000049  }
0x34: {  	_ =	strace $0x8000004A  }
0x35: {  	_ =	swait.ge [sflag:s6], $0x80  }
0x36: {  	[sflag:s6] =	ssyncset.done $0x0  }
0x37: {  	[sflag:s6] =	ssyncadd.s32 $0xFFFFFF80  }
0x38: {  	_ =	strace $0x9000004A  }
0x39: {  	_ =	strace $0x8000004B  }
0x3a: {  	[tilespmem:s8], [sflag:$0x5] =	stream.indirect.gather [hbm4b:s7+s5], $0x80, s2, s5, $0x2000b8;
	[tilespmem:$0x8100] =	vst v63  }
0x3b: {  	_ =	swait.ge [sflag:s9], $0x4000  }
0x3c: {  	[sflag:s9] =	ssyncset.done $0x0  }
0x3d: {  	[sflag:s9] =	ssyncadd.s32 $0xFFFFC000  }
0x3e: {  	_ =	strace $0x9000004B  }
0x3f: {  	s17 =	sadd.s32 $0x1000, s10;
	_ =	strace $0x8000004C  }
0x40: {  	[hbm4b:s17+s2] =	stream.linear.scatter [tilespmem:s8], [sflag:$0x3], $0x4000, $0x200038;
	[tilespmem:$0x8100] =	vst v63  }
0x41: {  	_ =	strace $0x9000004C  }
0x42: {  	s18 =	simm.s32 $0x4;
	_ =	strace $0x8000004D  }
0x43: {  	_ =	swait.ge [sflag:s18], $0x4000  }
0x44: {  	[sflag:s18] =	ssyncset.done $0x0  }
0x45: {  	[sflag:s18] =	ssyncadd.s32 $0xFFFFC000  }
0x46: {  	_ =	strace $0x9000004D  }
0x47: {  	_ =	strace $0x8000004A  }
0x48: {  	_ =	swait.ge [sflag:s12], $0x80  }
0x49: {  	[sflag:s12] =	ssyncset.done $0x0  }
0x4a: {  	[sflag:s12] =	ssyncadd.s32 $0xFFFFFF80  }
0x4b: {  	_ =	strace $0x9000004A  }
0x4c: {  	_ =	strace $0x8000004B  }
0x4d: {  	[tilespmem:s13], [sflag:$0x5] =	stream.indirect.gather [hbm4b:s7+s5], $0x80, s5, s5, $0x2000b8;
	[tilespmem:$0x8100] =	vst v63  }
0x4e: {  	_ =	swait.ge [sflag:s9], $0x4000  }
0x4f: {  	[sflag:s9] =	ssyncset.done $0x0  }
0x50: {  	[sflag:s9] =	ssyncadd.s32 $0xFFFFC000  }
0x51: {  	_ =	strace $0x9000004B  }
0x52: {  	s19 =	sadd.s32 $0x1800, s10;
	_ =	strace $0x8000004C  }
0x53: {  	[hbm4b:s19+s2] =	stream.linear.scatter [tilespmem:s13], [sflag:$0x4], $0x4000, $0x200038;
	[tilespmem:$0x8100] =	vst v63  }
0x54: {  	s20 =	ssub.s32 $0x2, s20;
	_ =	strace $0x9000004C  }
0x55: {  	s21 =	sshrl.u32 s20, $0x1;
	_ =	strace $0x8000004D  }
0x56: {  	s20 =	ssub.s32 s20, s21;
	_ =	swait.ge [sflag:s15], $0x4000  }
0x57: {  	s20 =	smax.u32 s20, $0x1;
	[sflag:s15] =	ssyncset.done $0x0  }
0x58: {  	p0 =	sne.s32 s20, $0x1;
	[sflag:s15] =	ssyncadd.s32 $0xFFFFC000  }
.Ltmp0:
0x59: {  	_ =	strace $0x9000004D;
	(pc) =	sbr.rel @!p0 .LBB2_2-.Ltmp0, $4  }
0x5a: {  	_ =	strace $0x8000004E  }
0x5b: {  	_ =	swait.ge [sflag:s18], $0x4000  }
0x5c: {  	[sflag:s18] =	ssyncset.done $0x0  }
0x5d: {  	s20 =	sadd.s32 $0xFFFFFFFF, s20;
	[sflag:s18] =	ssyncadd.s32 $0xFFFFC000  }
.LBB2_1:
0x5e: {  	p0 =	sne.s32 s20, $0x1;
	s20 =	sadd.s32 $0xFFFFFFFF, s20;
	_ =	strace $0x9000004E  }
0x5f: {  	_ =	strace $0x80000048  }
0x60: {  	[tilespmem:s2], [sflag:$0x1] =	stream.linear.gather [hbm4b:s3+s2], $0x80, $0x200038;
	[tilespmem:$0x8100] =	vst v63  }
0x61: {  	_ =	strace $0x90000048  }
0x62: {  	_ =	strace $0x80000049  }
0x63: {  	[tilespmem:s5], [sflag:$0x2] =	stream.linear.gather [hbm4b:s4+s2], $0x80, $0x200038;
	[tilespmem:$0x8100] =	vst v63  }
0x64: {  	_ =	strace $0x90000049  }
0x65: {  	_ =	strace $0x8000004A  }
0x66: {  	_ =	swait.ge [sflag:s6], $0x80  }
0x67: {  	[sflag:s6] =	ssyncset.done $0x0  }
0x68: {  	[sflag:s6] =	ssyncadd.s32 $0xFFFFFF80  }
0x69: {  	_ =	strace $0x9000004A  }
0x6a: {  	_ =	strace $0x8000004B  }
0x6b: {  	[tilespmem:s8], [sflag:$0x5] =	stream.indirect.gather [hbm4b:s7+s5], $0x80, s2, s5, $0x2000b8;
	[tilespmem:$0x8100] =	vst v63  }
0x6c: {  	_ =	swait.ge [sflag:s9], $0x4000  }
0x6d: {  	[sflag:s9] =	ssyncset.done $0x0  }
0x6e: {  	[sflag:s9] =	ssyncadd.s32 $0xFFFFC000  }
0x6f: {  	_ =	strace $0x9000004B  }
0x70: {  	_ =	strace $0x8000004C  }
0x71: {  	[hbm4b:s10+s2] =	stream.linear.scatter [tilespmem:s8], [sflag:$0x3], $0x4000, $0x200038;
	[tilespmem:$0x8100] =	vst v63  }
0x72: {  	_ =	strace $0x9000004C  }
0x73: {  	_ =	strace $0x80000049  }
0x74: {  	[tilespmem:s2], [sflag:$0x1] =	stream.linear.gather [hbm4b:s11+s2], $0x80, $0x200038;
	[tilespmem:$0x8100] =	vst v63  }
0x75: {  	_ =	strace $0x90000049  }
0x76: {  	_ =	strace $0x8000004A  }
0x77: {  	_ =	swait.ge [sflag:s12], $0x80  }
0x78: {  	[sflag:s12] =	ssyncset.done $0x0  }
0x79: {  	[sflag:s12] =	ssyncadd.s32 $0xFFFFFF80  }
0x7a: {  	_ =	strace $0x9000004A  }
0x7b: {  	_ =	strace $0x8000004B  }
0x7c: {  	[tilespmem:s13], [sflag:$0x5] =	stream.indirect.gather [hbm4b:s7+s5], $0x80, s5, s5, $0x2000b8;
	[tilespmem:$0x8100] =	vst v63  }
0x7d: {  	_ =	swait.ge [sflag:s9], $0x4000  }
0x7e: {  	[sflag:s9] =	ssyncset.done $0x0  }
0x7f: {  	[sflag:s9] =	ssyncadd.s32 $0xFFFFC000  }
0x80: {  	_ =	strace $0x9000004B  }
0x81: {  	_ =	strace $0x8000004C  }
0x82: {  	[hbm4b:s14+s2] =	stream.linear.scatter [tilespmem:s13], [sflag:$0x4], $0x4000, $0x200038;
	[tilespmem:$0x8100] =	vst v63  }
0x83: {  	_ =	strace $0x9000004C  }
0x84: {  	_ =	strace $0x8000004D  }
0x85: {  	_ =	swait.ge [sflag:s15], $0x4000  }
0x86: {  	[sflag:s15] =	ssyncset.done $0x0  }
0x87: {  	[sflag:s15] =	ssyncadd.s32 $0xFFFFC000  }
0x88: {  	_ =	strace $0x9000004D  }
0x89: {  	_ =	strace $0x80000049  }
0x8a: {  	[tilespmem:s5], [sflag:$0x2] =	stream.linear.gather [hbm4b:s16+s2], $0x80, $0x200038;
	[tilespmem:$0x8100] =	vst v63  }
0x8b: {  	_ =	strace $0x90000049  }
0x8c: {  	_ =	strace $0x8000004A  }
0x8d: {  	_ =	swait.ge [sflag:s6], $0x80  }
0x8e: {  	[sflag:s6] =	ssyncset.done $0x0  }
0x8f: {  	[sflag:s6] =	ssyncadd.s32 $0xFFFFFF80  }
0x90: {  	_ =	strace $0x9000004A  }
0x91: {  	_ =	strace $0x8000004B  }
0x92: {  	[tilespmem:s8], [sflag:$0x5] =	stream.indirect.gather [hbm4b:s7+s5], $0x80, s2, s5, $0x2000b8;
	[tilespmem:$0x8100] =	vst v63  }
0x93: {  	_ =	swait.ge [sflag:s9], $0x4000  }
0x94: {  	[sflag:s9] =	ssyncset.done $0x0  }
0x95: {  	[sflag:s9] =	ssyncadd.s32 $0xFFFFC000  }
0x96: {  	_ =	strace $0x9000004B  }
0x97: {  	_ =	strace $0x8000004C  }
0x98: {  	[hbm4b:s17+s2] =	stream.linear.scatter [tilespmem:s8], [sflag:$0x3], $0x4000, $0x200038;
	[tilespmem:$0x8100] =	vst v63  }
0x99: {  	_ =	strace $0x9000004C  }
0x9a: {  	_ =	strace $0x8000004D  }
0x9b: {  	_ =	swait.ge [sflag:s18], $0x4000  }
0x9c: {  	[sflag:s18] =	ssyncset.done $0x0  }
0x9d: {  	[sflag:s18] =	ssyncadd.s32 $0xFFFFC000  }
0x9e: {  	_ =	strace $0x9000004D  }
0x9f: {  	_ =	strace $0x8000004A  }
0xa0: {  	_ =	swait.ge [sflag:s12], $0x80  }
0xa1: {  	[sflag:s12] =	ssyncset.done $0x0  }
0xa2: {  	[sflag:s12] =	ssyncadd.s32 $0xFFFFFF80  }
0xa3: {  	_ =	strace $0x9000004A  }
0xa4: {  	_ =	strace $0x8000004B  }
0xa5: {  	[tilespmem:s13], [sflag:$0x5] =	stream.indirect.gather [hbm4b:s7+s5], $0x80, s5, s5, $0x2000b8;
	[tilespmem:$0x8100] =	vst v63  }
0xa6: {  	_ =	swait.ge [sflag:s9], $0x4000  }
0xa7: {  	[sflag:s9] =	ssyncset.done $0x0  }
0xa8: {  	[sflag:s9] =	ssyncadd.s32 $0xFFFFC000  }
0xa9: {  	_ =	strace $0x9000004B  }
0xaa: {  	_ =	strace $0x8000004C  }
0xab: {  	[hbm4b:s19+s2] =	stream.linear.scatter [tilespmem:s13], [sflag:$0x4], $0x4000, $0x200038;
	[tilespmem:$0x8100] =	vst v63  }
0xac: {  	_ =	strace $0x9000004C  }
0xad: {  	_ =	strace $0x8000004D  }
0xae: {  	_ =	swait.ge [sflag:s15], $0x4000  }
0xaf: {  	[sflag:s15] =	ssyncset.done $0x0  }
0xb0: {  	[sflag:s15] =	ssyncadd.s32 $0xFFFFC000  }
.Ltmp1:
0xb1: {  	_ =	strace $0x9000004D;
	(pc) =	sbr.rel @p0 .LBB2_1-.Ltmp1, $4  }
0xb2: {  	_ =	strace $0x8000004E  }
0xb3: {  	_ =	swait.ge [sflag:s18], $0x4000  }
0xb4: {  	[sflag:s18] =	ssyncset.done $0x0  }
0xb5: {  	[sflag:s18] =	ssyncadd.s32 $0xFFFFC000  }
.LBB2_2:
0xb6: {  	_ =	strace $0x9000004E  }
0xb7: {  	_ =	sfence.sel $0x180000  }
0xb8: {  	[bflag:$0x0] =	sbarrier.arrive $0xFFFF  }
0xb9: {  	p0 =	sne.s32 s1, $0x0;
	_ =	strace $0x90000047  }
0xba: {  	s0 =	sadd.s32 @!p0 $0x100000, s0;
	[bflag:$0x2] =	sbarrier.arrive $0xFFFF  }
0xbb: {  	[sflag:s0] =	ssyncadd.tile.s32 @!p0 $0x1;
	_ =	shalt  }
.Lfunc_end2:
_tile_overlayer_lowered:
.L_overlay_start_2:
0xbc: {  	(tag) =	ssettag $0x2  }
0xbd: {  	s0 =	rddreg [dreg:$0x0];
	s2 =	stileid.u32  }
0xbe: {  	s1 =	rddreg [dreg:$0x1];
	p0 =	sne.s32 s2, $0x0  }
0xbf: {  	s3 =	rddreg [dreg:$0x2];
	[bflag:$0x3] =	sbarrier.arrive $0xFFFF;
	s2 =	simm.s32 @!p0 $0x1C01  }
0xc0: {  	[timem:s3], [sflag:s2] =	dma.local @!p0 [hbm:s0], s1  }
0xc1: {  	s0 =	simm.s32 @!p0 $0x1  }
0xc2: {  	_ =	swait.ge @!p0 [sflag:s0], s1  }
0xc3: {  	s1 =	ssub.s32 @!p0 $0x0, s1;
	[sflag:s0] =	ssyncset.done @!p0 $0x0  }
0xc4: {  	[sflag:s0] =	ssyncadd.s32 @!p0 s1  }
0xc5: {  	[bflag:$0x3] =	sbarrier.arrive $0xFFFF  }
0xc6: {  	_ =	shalt  }

</sc_bundles>
